<compile_context>
chip_gen: v7x
topology: tpu7x:2x2x1
jax: 0.10.2.dev20260603
libtpu: 0.0.44.dev20260713+nightly
codegen_flags: <defaults>
</compile_context>

<pallas_src>
import jax
import jax.numpy as jnp
import numpy as np
from jax.experimental import pallas as pl
from jax.experimental.pallas import tpu as pltpu

B = 1
S = 2048
H = 1024
E = 8
TOPK = 2
H4 = H // 4
NH = 8
DH = H // NH
CAP = int(B * S * 1.5 * TOPK / E)

HP = 1152
_f32 = jnp.float32
_SCALE = np.float32(1.0 / np.sqrt(np.float64(DH)))


def _dot(a, b):
    return jax.lax.dot_general(a, b, (((1,), (0,)), ((), ())),
                               preferred_element_type=_f32)


def _dot_rhst(a, bt):
    return jax.lax.dot_general(a, bt, (((1,), (1,)), ((), ())),
                               preferred_element_type=_f32)



def _k1_body(comb_ref, w1_ref, b1_ref, w2_ref, b2_ref, pe_ref,
             sw1_ref, sb1_ref, sw2_ref, sb2_ref, wqkv_ref, bqkv_ref,
             qkv_ref):
    x = comb_ref[...]
    h1 = jnp.maximum(_dot(x, w1_ref[...]) + b1_ref[...], 0.0)
    enc = _dot(h1, w2_ref[...]) + b2_ref[...]
    sea = x[:, (H + 1):(H + 2)]
    s1 = jnp.maximum(sea * sw1_ref[...] + sb1_ref[...], 0.0)
    sh = _dot(s1, sw2_ref[...]) + sb2_ref[...]
    sfull = jnp.concatenate([sh, sh, sh, sh], axis=1)
    enc = enc + pe_ref[...] + sfull
    qkv_ref[...] = _dot_rhst(enc, wqkv_ref[...]) + bqkv_ref[...]



def _k2_body(q_ref, k_ref, v_ref, o_ref, m_ref, l_ref):
    kb = pl.program_id(2)

    @pl.when(kb == 0)
    def _():
        o_ref[...] = jnp.zeros_like(o_ref)
        m_ref[...] = jnp.full_like(m_ref, -jnp.inf)
        l_ref[...] = jnp.zeros_like(l_ref)

    s = _dot_rhst(q_ref[...], k_ref[...]) * _SCALE
    bm = jnp.max(s, axis=1, keepdims=True)
    old_m = m_ref[...]
    new_m = jnp.maximum(old_m, bm)
    corr_e = jnp.where(old_m == new_m, 0.0, old_m - new_m)
    p = jnp.exp(s - new_m)
    bs = jnp.sum(p, axis=1, keepdims=True)
    old_l = l_ref[...]
    new_l = jnp.exp(corr_e) * old_l + bs
    acc = (jnp.exp(corr_e) * old_l) * o_ref[...]
    mm = _dot(p, v_ref[...])
    o_ref[...] = (acc + mm) * (1.0 / new_l)
    m_ref[...] = new_m
    l_ref[...] = new_l



def _k3a_body(o_ref, wo_ref, bo_ref, w1_ref, b1_ref, w2_ref, b2_ref,
              probs_ref, idx_ref, gates_ref):
    x = _dot_rhst(o_ref[...], wo_ref[...]) + bo_ref[...]
    h1 = jnp.maximum(_dot(x, w1_ref[...]) + b1_ref[...], 0.0)
    logits = (_dot(h1, w2_ref[...]) + b2_ref[...])[:, :E]
    m = jnp.max(logits, axis=1, keepdims=True)
    ex = jnp.exp(logits - m)
    probs = ex / jnp.sum(ex, axis=1, keepdims=True)
    probs_ref[...] = probs
    io = jax.lax.broadcasted_iota(jnp.int32, probs.shape, 1)
    v0 = jnp.max(probs, axis=1, keepdims=True)
    i0 = jnp.min(jnp.where(probs == v0, io, E), axis=1, keepdims=True)
    pm = jnp.where(io == i0, -1.0, probs)
    v1 = jnp.max(pm, axis=1, keepdims=True)
    i1 = jnp.min(jnp.where(pm == v1, io, E), axis=1, keepdims=True)
    idx_ref[...] = jnp.concatenate([i0, i1], axis=1)
    tv = jnp.concatenate([v0, v1], axis=1)
    gates_ref[...] = tv / jnp.sum(tv, axis=1, keepdims=True)



def _k3c_body(probs_ref, aux_ref):
    mp = jnp.sum(probs_ref[...], axis=0, keepdims=True) / _f32(S)
    aux_ref[...] = jnp.sum(mp * jnp.log(mp * _f32(E) + 1e-9),
                           axis=1, keepdims=True)



def _k3b_body(idx_ref, flat_ref, carry_ref):
    i = pl.program_id(0)

    @pl.when(i == 0)
    def _():
        carry_ref[...] = jnp.zeros_like(carry_ref)

    idx = idx_ref[...]
    tb = idx.shape[0]
    ioe = jax.lax.broadcasted_iota(jnp.int32, (tb, E), 1)
    oh0 = (ioe == idx[:, 0:1]).astype(_f32)
    oh1 = (ioe == idx[:, 1:2]).astype(_f32)
    cnt = oh0 + oh1
    r = jax.lax.broadcasted_iota(jnp.int32, (tb, tb), 0)
    c = jax.lax.broadcasted_iota(jnp.int32, (tb, tb), 1)
    tri = (c < r).astype(_f32)
    cum = _dot(tri, cnt) + carry_ref[...]
    carry_ref[...] = carry_ref[...] + jnp.sum(cnt, axis=0, keepdims=True)
    pos0 = jnp.sum(cum * oh0, axis=1, keepdims=True)
    pos1 = jnp.sum((cum + oh0) * oh1, axis=1, keepdims=True)
    f0 = jnp.where(pos0 < CAP, idx[:, 0:1] * CAP + pos0.astype(jnp.int32), -1)
    f1 = jnp.where(pos1 < CAP, idx[:, 1:2] * CAP + pos1.astype(jnp.int32), -1)
    flat_ref[...] = jnp.concatenate([f0, f1], axis=1)



def _k4_body(flat_ref, gates_ref, disp_ref, comb_ref):
    f = flat_ref[...]
    g = gates_ref[...]
    ts2 = f.shape[0]
    io = jax.lax.broadcasted_iota(jnp.int32, (ts2, E * CAP), 1)
    m0 = io == f[:, 0:1]
    m1 = io == f[:, 1:2]
    disp_ref[...] = m0.astype(_f32) + m1.astype(_f32)
    comb_ref[...] = (jnp.where(m0, g[:, 0:1], 0.0)
                     + jnp.where(m1, g[:, 1:2], 0.0))


def kernel(hidden_states, te_w1, te_b1, te_w2, te_b2, tr_w1, tr_b1, tr_w2,
           tr_b2, pos_emb, se_w1, se_b1, se_w2, se_b2, attn_in_w, attn_in_b,
           attn_out_w, attn_out_b):
    f32 = _f32
    hs = hidden_states[0]
    ts = jnp.arange(S, dtype=f32)
    sea = jnp.sin(ts * 2.0 * jnp.pi / 24.0)
    comb = jnp.concatenate(
        [hs, ts[:, None], sea[:, None],
         jnp.zeros((S, HP - H - 2), f32)], axis=1)
    w1p = jnp.concatenate(
        [te_w1, jnp.zeros((HP - H - 2, H), f32)], axis=0)
    pe = pos_emb[:S]
    w2p = jnp.concatenate([tr_w2, jnp.zeros((H, H - E), f32)], axis=1)
    b2p = jnp.concatenate([tr_b2, jnp.zeros((H - E,), f32)])

    TS = 256
    qkv = pl.pallas_call(
        _k1_body,
        grid=(S // TS,),
        in_specs=[
            pl.BlockSpec((TS, HP), lambda i: (i, 0)),
            pl.BlockSpec((HP, H), lambda i: (0, 0)),
            pl.BlockSpec((1, H), lambda i: (0, 0)),
            pl.BlockSpec((H, H), lambda i: (0, 0)),
            pl.BlockSpec((1, H), lambda i: (0, 0)),
            pl.BlockSpec((TS, H), lambda i: (i, 0)),
            pl.BlockSpec((1, H4), lambda i: (0, 0)),
            pl.BlockSpec((1, H4), lambda i: (0, 0)),
            pl.BlockSpec((H4, H4), lambda i: (0, 0)),
            pl.BlockSpec((1, H4), lambda i: (0, 0)),
            pl.BlockSpec((3 * H, H), lambda i: (0, 0)),
            pl.BlockSpec((1, 3 * H), lambda i: (0, 0)),
        ],
        out_specs=pl.BlockSpec((TS, 3 * H), lambda i: (i, 0)),
        out_shape=jax.ShapeDtypeStruct((S, 3 * H), f32),
    )(comb, w1p, te_b1[None], te_w2, te_b2[None], pe,
      se_w1, se_b1[None], se_w2, se_b2[None],
      attn_in_w, attn_in_b[None])

    QB = 1024
    KB = 1024
    o = pl.pallas_call(
        _k2_body,
        grid=(NH, S // QB, S // KB),
        in_specs=[
            pl.BlockSpec((QB, DH), lambda h, i, j: (i, h)),
            pl.BlockSpec((KB, DH), lambda h, i, j: (j, NH + h)),
            pl.BlockSpec((KB, DH), lambda h, i, j: (j, 2 * NH + h)),
        ],
        out_specs=pl.BlockSpec((QB, DH), lambda h, i, j: (i, h)),
        out_shape=jax.ShapeDtypeStruct((S, H), f32),
        scratch_shapes=[pltpu.VMEM((QB, 1), f32), pltpu.VMEM((QB, 1), f32)],
    )(qkv, qkv, qkv)

    RB = 512
    probs2, top_idx, gates = pl.pallas_call(
        _k3a_body,
        grid=(S // RB,),
        in_specs=[
            pl.BlockSpec((RB, H), lambda i: (i, 0)),
            pl.BlockSpec((H, H), lambda i: (0, 0)),
            pl.BlockSpec((1, H), lambda i: (0, 0)),
            pl.BlockSpec((H, H), lambda i: (0, 0)),
            pl.BlockSpec((1, H), lambda i: (0, 0)),
            pl.BlockSpec((H, H), lambda i: (0, 0)),
            pl.BlockSpec((1, H), lambda i: (0, 0)),
        ],
        out_specs=[
            pl.BlockSpec((RB, E), lambda i: (i, 0)),
            pl.BlockSpec((RB, 2), lambda i: (i, 0)),
            pl.BlockSpec((RB, 2), lambda i: (i, 0)),
        ],
        out_shape=[
            jax.ShapeDtypeStruct((S, E), f32),
            jax.ShapeDtypeStruct((S, 2), jnp.int32),
            jax.ShapeDtypeStruct((S, 2), f32),
        ],
    )(o, attn_out_w, attn_out_b[None], tr_w1, tr_b1[None],
      w2p, b2p[None])

    aux2 = pl.pallas_call(
        _k3c_body,
        out_shape=jax.ShapeDtypeStruct((1, 1), f32),
    )(probs2)

    TB = 128
    flat = pl.pallas_call(
        _k3b_body,
        grid=(S // TB,),
        in_specs=[pl.BlockSpec((TB, 2), lambda i: (i, 0))],
        out_specs=pl.BlockSpec((TB, 2), lambda i: (i, 0)),
        out_shape=jax.ShapeDtypeStruct((S, 2), jnp.int32),
        scratch_shapes=[pltpu.VMEM((1, E), f32)],
    )(top_idx)

    TS2 = 128
    dispatch, combine = pl.pallas_call(
        _k4_body,
        grid=(S // TS2,),
        in_specs=[
            pl.BlockSpec((TS2, 2), lambda i: (i, 0)),
            pl.BlockSpec((TS2, 2), lambda i: (i, 0)),
        ],
        out_specs=[
            pl.BlockSpec((TS2, E * CAP), lambda i: (i, 0)),
            pl.BlockSpec((TS2, E * CAP), lambda i: (i, 0)),
        ],
        out_shape=[
            jax.ShapeDtypeStruct((S, E * CAP), f32),
            jax.ShapeDtypeStruct((S, E * CAP), f32),
        ],
    )(flat, gates)

    dispatch = dispatch.reshape(B, S, E, CAP)
    combine = combine.reshape(B, S, E, CAP)
    probs = probs2[None]
    aux = aux2.reshape(())
    return dispatch, combine, probs, aux

# --- scband reference (transcript-rebuilt; emitter-appended) ---
"""Pipeline reference for scband-time-mo-erouter-3435973837302 (READ-ONLY COPY).

The authoritative reference and input builder live on the scoring server;
editing this copy changes nothing except your own understanding.
"""

import jax, jax.numpy as jnp
import numpy as np

B = 1
S = 2048
H = 1024
E = 8
K = 2
SEQLEN = 2048
CAPF = 1.5
H4 = H // 4
NH = 8
DH = H // NH
CAPACITY = int(B * S * CAPF * K / E)


def setup_inputs(seed: int = 0) -> dict:
    key = jax.random.key(seed)
    ks = jax.random.split(key, 12)
    s = 0.02
    return {
        "hidden_states": jax.random.normal(ks[0], (B, S, H), dtype=jnp.float32),
        "te_w1": jax.random.normal(ks[1], (H + 2, H), dtype=jnp.float32) * s,
        "te_b1": jnp.zeros((H,), jnp.float32),
        "te_w2": jax.random.normal(ks[2], (H, H), dtype=jnp.float32) * s,
        "te_b2": jnp.zeros((H,), jnp.float32),
        "tr_w1": jax.random.normal(ks[3], (H, H), dtype=jnp.float32) * s,
        "tr_b1": jnp.zeros((H,), jnp.float32),
        "tr_w2": jax.random.normal(ks[4], (H, E), dtype=jnp.float32) * s,
        "tr_b2": jnp.zeros((E,), jnp.float32),
        "pos_emb": jax.random.normal(ks[5], (SEQLEN, H), dtype=jnp.float32) * s,
        "se_w1": jax.random.normal(ks[6], (1, H4), dtype=jnp.float32) * s,
        "se_b1": jnp.zeros((H4,), jnp.float32),
        "se_w2": jax.random.normal(ks[7], (H4, H4), dtype=jnp.float32) * s,
        "se_b2": jnp.zeros((H4,), jnp.float32),
        "attn_in_w": jax.random.normal(ks[8], (3 * H, H), dtype=jnp.float32) * s,
        "attn_in_b": jnp.zeros((3 * H,), jnp.float32),
        "attn_out_w": jax.random.normal(ks[9], (H, H), dtype=jnp.float32) * s,
        "attn_out_b": jnp.zeros((H,), jnp.float32),
    }


def _mha(x, in_w, in_b, out_w, out_b):
    # torch nn.MultiheadAttention, batch_first=True, eval mode (no dropout)
    qkv = x @ in_w.T + in_b
    q, k, v = jnp.split(qkv, 3, axis=-1)
    def heads(t):
        return t.reshape(B, S, NH, DH).transpose(0, 2, 1, 3)
    q, k, v = heads(q), heads(k), heads(v)
    att = jnp.einsum('bhqd,bhkd->bhqk', q, k) / np.sqrt(DH)
    att = jax.nn.softmax(att, axis=-1)
    o = jnp.einsum('bhqk,bhkd->bhqd', att, v)
    o = o.transpose(0, 2, 1, 3).reshape(B, S, H)
    return o @ out_w.T + out_b


def _forward(hidden_states, te_w1, te_b1, te_w2, te_b2, tr_w1, tr_b1, tr_w2, tr_b2,
             pos_emb, se_w1, se_b1, se_w2, se_b2, attn_in_w, attn_in_b, attn_out_w, attn_out_b):
    timestamps = jnp.arange(S, dtype=jnp.float32)
    seasonality = jnp.sin(timestamps * 2.0 * jnp.pi / 24.0)
    ts = jnp.broadcast_to(timestamps[None, :], (B, S))
    sea = jnp.broadcast_to(seasonality[None, :], (B, S))
    positions = jnp.arange(S)
    pe = jnp.broadcast_to(jnp.take(pos_emb, positions, axis=0)[None], (B, S, H))
    se_h = jax.nn.relu(sea[..., None] @ se_w1 + se_b1) @ se_w2 + se_b2  # [B,S,H4]
    se_full = jnp.tile(se_h, (1, 1, H // H4))  # torch .expand(-1,-1,H) intent
    tf = jnp.stack([ts, sea], axis=-1)  # [B,S,2]
    comb = jnp.concatenate([hidden_states, tf], axis=-1)
    enc = jax.nn.relu(comb @ te_w1 + te_b1) @ te_w2 + te_b2
    enc = enc + pe + se_full
    enc = _mha(enc, attn_in_w, attn_in_b, attn_out_w, attn_out_b)
    logits = jax.nn.relu(enc @ tr_w1 + tr_b1) @ tr_w2 + tr_b2
    probs = jax.nn.softmax(logits, axis=-1)
    topv, topi = jax.lax.top_k(probs, K)
    topv = topv / jnp.sum(topv, axis=-1, keepdims=True)

    def per_batch(idx_b, prob_b):
        idx = idx_b.reshape(S * K)
        pr = prob_b.reshape(S * K)
        oh = jax.nn.one_hot(idx, E, dtype=jnp.float32)
        cum = jnp.cumsum(oh, axis=0)
        pos = jnp.sum(cum * oh, axis=-1).astype(jnp.int32) - 1  # slot within expert
        valid = pos < CAPACITY
        tok = jnp.arange(S * K) // K
        posc = jnp.clip(pos, 0, CAPACITY - 1)
        d = jnp.zeros((S, E, CAPACITY), jnp.float32).at[tok, idx, posc].add(jnp.where(valid, 1.0, 0.0))
        c = jnp.zeros((S, E, CAPACITY), jnp.float32).at[tok, idx, posc].add(jnp.where(valid, pr, 0.0))
        return d, c

    dispatch, combine = jax.vmap(per_batch)(topi, topv)
    mean_probs = probs.mean(axis=(0, 1))
    aux = jnp.sum(mean_probs * jnp.log(mean_probs * E + 1e-9))
    return dispatch, combine, probs, aux


def reference(hidden_states, te_w1, te_b1, te_w2, te_b2, tr_w1, tr_b1, tr_w2, tr_b2,
              pos_emb, se_w1, se_b1, se_w2, se_b2, attn_in_w, attn_in_b, attn_out_w, attn_out_b):
    return _forward(hidden_states, te_w1, te_b1, te_w2, te_b2, tr_w1, tr_b1, tr_w2, tr_b2,
                    pos_emb, se_w1, se_b1, se_w2, se_b2, attn_in_w, attn_in_b, attn_out_w, attn_out_b)

if __name__ == "__main__":
    import jax
    _d = setup_inputs()
    print(jax.jit(kernel)(*tuple(_d.values())))

</pallas_src>

<mosaic_0001>
module attributes {stable_mosaic.version = 14 : i64} {
  func.func @_k1_body(%arg0: i32, %arg1: memref<256x1152xf32, #tpu.memory_space<vmem>>, %arg2: memref<1152x1024xf32, #tpu.memory_space<vmem>>, %arg3: memref<1x1024xf32, #tpu.memory_space<vmem>>, %arg4: memref<1024x1024xf32, #tpu.memory_space<vmem>>, %arg5: memref<1x1024xf32, #tpu.memory_space<vmem>>, %arg6: memref<256x1024xf32, #tpu.memory_space<vmem>>, %arg7: memref<1x256xf32, #tpu.memory_space<vmem>>, %arg8: memref<1x256xf32, #tpu.memory_space<vmem>>, %arg9: memref<256x256xf32, #tpu.memory_space<vmem>>, %arg10: memref<1x256xf32, #tpu.memory_space<vmem>>, %arg11: memref<3072x1024xf32, #tpu.memory_space<vmem>>, %arg12: memref<1x3072xf32, #tpu.memory_space<vmem>>, %arg13: memref<256x3072xf32, #tpu.memory_space<vmem>>) attributes {dimension_semantics = [#tpu.dimension_semantics<arbitrary>], iteration_bounds = array<i64: 8>, scalar_prefetch = 0 : i64, scratch_operands = 0 : i64, tpu.core_type = #tpu.core_type<tc>, window_params = [{transform_indices = @transform_0, window_bounds = array<i64: 256, 1152>}, {pipeline_mode = #tpu.pipeline_mode<synchronous>, transform_indices = @transform_1, window_bounds = array<i64: 1152, 1024>}, {pipeline_mode = #tpu.pipeline_mode<synchronous>, transform_indices = @transform_2, window_bounds = array<i64: 1, 1024>}, {pipeline_mode = #tpu.pipeline_mode<synchronous>, transform_indices = @transform_3, window_bounds = array<i64: 1024, 1024>}, {pipeline_mode = #tpu.pipeline_mode<synchronous>, transform_indices = @transform_4, window_bounds = array<i64: 1, 1024>}, {transform_indices = @transform_5, window_bounds = array<i64: 256, 1024>}, {pipeline_mode = #tpu.pipeline_mode<synchronous>, transform_indices = @transform_6, window_bounds = array<i64: 1, 256>}, {pipeline_mode = #tpu.pipeline_mode<synchronous>, transform_indices = @transform_7, window_bounds = array<i64: 1, 256>}, {pipeline_mode = #tpu.pipeline_mode<synchronous>, transform_indices = @transform_8, window_bounds = array<i64: 256, 256>}, {pipeline_mode = #tpu.pipeline_mode<synchronous>, transform_indices = @transform_9, window_bounds = array<i64: 1, 256>}, {pipeline_mode = #tpu.pipeline_mode<synchronous>, transform_indices = @transform_10, window_bounds = array<i64: 3072, 1024>}, {pipeline_mode = #tpu.pipeline_mode<synchronous>, transform_indices = @transform_11, window_bounds = array<i64: 1, 3072>}, {transform_indices = @transform_12, window_bounds = array<i64: 256, 3072>}]} {
    %get3A = arith.constant 0 : index
    %get3A_0 = arith.constant 0 : index
    %get3A_1 = vector.load %arg1[%get3A, %get3A_0] : memref<256x1152xf32, #tpu.memory_space<vmem>>, vector<256x1152xf32>
    %get3A_2 = arith.constant 0 : index
    %get3A_3 = arith.constant 0 : index
    %get3A_4 = vector.load %arg2[%get3A_2, %get3A_3] : memref<1152x1024xf32, #tpu.memory_space<vmem>>, vector<1152x1024xf32>
    %dot_general3A = arith.constant dense<0.000000e+00> : vector<256x1024xf32>
    %dot_general3A_5 = tpu.matmul %get3A_1, %get3A_4, %dot_general3A {dimension_numbers = #tpu.dot_dimension_numbers<[1], [0], [0], [1], [0, 0, 1, 1], [], []>, transpose_lhs_hint = false} : vector<256x1152xf32>, vector<1152x1024xf32>, vector<256x1024xf32> -> vector<256x1024xf32>
    %get3A_6 = arith.constant 0 : index
    %get3A_7 = arith.constant 0 : index
    %get3A_8 = vector.load %arg3[%get3A_6, %get3A_7] : memref<1x1024xf32, #tpu.memory_space<vmem>>, vector<1x1024xf32>
    %add3A = vector.broadcast %get3A_8 : vector<1x1024xf32> to vector<256x1024xf32>
    %add3A_9 = arith.addf %dot_general3A_5, %add3A : vector<256x1024xf32>
    %max3A = arith.constant 0.000000e+00 : f32
    %max3A_10 = vector.broadcast %max3A : f32 to vector<256x1024xf32>
    %max3A_11 = arith.maximumf %add3A_9, %max3A_10 : vector<256x1024xf32>
    %get3A_12 = arith.constant 0 : index
    %get3A_13 = arith.constant 0 : index
    %get3A_14 = vector.load %arg4[%get3A_12, %get3A_13] : memref<1024x1024xf32, #tpu.memory_space<vmem>>, vector<1024x1024xf32>
    %dot_general3A_15 = arith.constant dense<0.000000e+00> : vector<256x1024xf32>
    %dot_general3A_16 = tpu.matmul %max3A_11, %get3A_14, %dot_general3A_15 {dimension_numbers = #tpu.dot_dimension_numbers<[1], [0], [0], [1], [0, 0, 1, 1], [], []>, transpose_lhs_hint = false} : vector<256x1024xf32>, vector<1024x1024xf32>, vector<256x1024xf32> -> vector<256x1024xf32>
    %get3A_17 = arith.constant 0 : index
    %get3A_18 = arith.constant 0 : index
    %get3A_19 = vector.load %arg5[%get3A_17, %get3A_18] : memref<1x1024xf32, #tpu.memory_space<vmem>>, vector<1x1024xf32>
    %add3A_20 = vector.broadcast %get3A_19 : vector<1x1024xf32> to vector<256x1024xf32>
    %add3A_21 = arith.addf %dot_general3A_16, %add3A_20 : vector<256x1024xf32>
    %slice3A = vector.extract_strided_slice %get3A_1 {offsets = [0, 1025], sizes = [256, 1], strides = [1, 1]} : vector<256x1152xf32> to vector<256x1xf32>
    %get3A_22 = arith.constant 0 : index
    %get3A_23 = arith.constant 0 : index
    %get3A_24 = vector.load %arg7[%get3A_22, %get3A_23] : memref<1x256xf32, #tpu.memory_space<vmem>>, vector<1x256xf32>
    %mul3A = vector.broadcast %slice3A : vector<256x1xf32> to vector<256x256xf32>
    %mul3A_25 = vector.broadcast %get3A_24 : vector<1x256xf32> to vector<256x256xf32>
    %mul3A_26 = arith.mulf %mul3A, %mul3A_25 : vector<256x256xf32>
    %get3A_27 = arith.constant 0 : index
    %get3A_28 = arith.constant 0 : index
    %get3A_29 = vector.load %arg8[%get3A_27, %get3A_28] : memref<1x256xf32, #tpu.memory_space<vmem>>, vector<1x256xf32>
    %add3A_30 = vector.broadcast %get3A_29 : vector<1x256xf32> to vector<256x256xf32>
    %add3A_31 = arith.addf %mul3A_26, %add3A_30 : vector<256x256xf32>
    %max3A_32 = arith.constant 0.000000e+00 : f32
    %max3A_33 = vector.broadcast %max3A_32 : f32 to vector<256x256xf32>
    %max3A_34 = arith.maximumf %add3A_31, %max3A_33 : vector<256x256xf32>
    %get3A_35 = arith.constant 0 : index
    %get3A_36 = arith.constant 0 : index
    %get3A_37 = vector.load %arg9[%get3A_35, %get3A_36] : memref<256x256xf32, #tpu.memory_space<vmem>>, vector<256x256xf32>
    %dot_general3A_38 = arith.constant dense<0.000000e+00> : vector<256x256xf32>
    %dot_general3A_39 = tpu.matmul %max3A_34, %get3A_37, %dot_general3A_38 {dimension_numbers = #tpu.dot_dimension_numbers<[1], [0], [0], [1], [0, 0, 1, 1], [], []>, transpose_lhs_hint = false} : vector<256x256xf32>, vector<256x256xf32>, vector<256x256xf32> -> vector<256x256xf32>
    %get3A_40 = arith.constant 0 : index
    %get3A_41 = arith.constant 0 : index
    %get3A_42 = vector.load %arg10[%get3A_40, %get3A_41] : memref<1x256xf32, #tpu.memory_space<vmem>>, vector<1x256xf32>
    %add3A_43 = vector.broadcast %get3A_42 : vector<1x256xf32> to vector<256x256xf32>
    %add3A_44 = arith.addf %dot_general3A_39, %add3A_43 : vector<256x256xf32>
    %concatenate3A = tpu.concatenate %add3A_44, %add3A_44, %add3A_44, %add3A_44 in 1 : vector<256x256xf32>, vector<256x256xf32>, vector<256x256xf32>, vector<256x256xf32> -> vector<256x1024xf32>
    %get3A_45 = arith.constant 0 : index
    %get3A_46 = arith.constant 0 : index
    %get3A_47 = vector.load %arg6[%get3A_45, %get3A_46] : memref<256x1024xf32, #tpu.memory_space<vmem>>, vector<256x1024xf32>
    %add3A_48 = arith.addf %add3A_21, %get3A_47 : vector<256x1024xf32>
    %add3A_49 = arith.addf %add3A_48, %concatenate3A : vector<256x1024xf32>
    %get3A_50 = arith.constant 0 : index
    %get3A_51 = arith.constant 0 : index
    %get3A_52 = vector.load %arg11[%get3A_50, %get3A_51] : memref<3072x1024xf32, #tpu.memory_space<vmem>>, vector<3072x1024xf32>
    %dot_general3A_53 = arith.constant dense<0.000000e+00> : vector<256x3072xf32>
    %dot_general3A_54 = tpu.matmul %add3A_49, %get3A_52, %dot_general3A_53 {dimension_numbers = #tpu.dot_dimension_numbers<[1], [1], [0], [0], [0, 0, 1, 0], [], []>, transpose_lhs_hint = false} : vector<256x1024xf32>, vector<3072x1024xf32>, vector<256x3072xf32> -> vector<256x3072xf32>
    %get3A_55 = arith.constant 0 : index
    %get3A_56 = arith.constant 0 : index
    %get3A_57 = vector.load %arg12[%get3A_55, %get3A_56] : memref<1x3072xf32, #tpu.memory_space<vmem>>, vector<1x3072xf32>
    %add3A_58 = vector.broadcast %get3A_57 : vector<1x3072xf32> to vector<256x3072xf32>
    %add3A_59 = arith.addf %dot_general3A_54, %add3A_58 : vector<256x3072xf32>
    %swap3A = arith.constant 0 : index
    %swap3A_60 = arith.constant 0 : index
    %swap3A_61 = vector.load %arg13[%swap3A, %swap3A_60] : memref<256x3072xf32, #tpu.memory_space<vmem>>, vector<256x3072xf32>
    tpu.vector_store %arg13[%swap3A, %swap3A_60], %add3A_59 {strides = array<i32>} : memref<256x3072xf32, #tpu.memory_space<vmem>>, vector<256x3072xf32>,
    return
  }
  func.func @transform_0(%arg0: i32) -> (i32, i32) {
    %c0_i32 = arith.constant 0 : i32
    %c0_i32_0 = arith.constant 0 : i32
    return %arg0, %c0_i32 : i32, i32
  }
  func.func @transform_1(%arg0: i32) -> (i32, i32) {
    %c0_i32 = arith.constant 0 : i32
    %c0_i32_0 = arith.constant 0 : i32
    %c0_i32_1 = arith.constant 0 : i32
    return %c0_i32, %c0_i32_0 : i32, i32
  }
  func.func @transform_2(%arg0: i32) -> (i32, i32) {
    %c0_i32 = arith.constant 0 : i32
    %c0_i32_0 = arith.constant 0 : i32
    %c0_i32_1 = arith.constant 0 : i32
    return %c0_i32, %c0_i32_0 : i32, i32
  }
  func.func @transform_3(%arg0: i32) -> (i32, i32) {
    %c0_i32 = arith.constant 0 : i32
    %c0_i32_0 = arith.constant 0 : i32
    %c0_i32_1 = arith.constant 0 : i32
    return %c0_i32, %c0_i32_0 : i32, i32
  }
  func.func @transform_4(%arg0: i32) -> (i32, i32) {
    %c0_i32 = arith.constant 0 : i32
    %c0_i32_0 = arith.constant 0 : i32
    %c0_i32_1 = arith.constant 0 : i32
    return %c0_i32, %c0_i32_0 : i32, i32
  }
  func.func @transform_5(%arg0: i32) -> (i32, i32) {
    %c0_i32 = arith.constant 0 : i32
    %c0_i32_0 = arith.constant 0 : i32
    return %arg0, %c0_i32 : i32, i32
  }
  func.func @transform_6(%arg0: i32) -> (i32, i32) {
    %c0_i32 = arith.constant 0 : i32
    %c0_i32_0 = arith.constant 0 : i32
    %c0_i32_1 = arith.constant 0 : i32
    return %c0_i32, %c0_i32_0 : i32, i32
  }
  func.func @transform_7(%arg0: i32) -> (i32, i32) {
    %c0_i32 = arith.constant 0 : i32
    %c0_i32_0 = arith.constant 0 : i32
    %c0_i32_1 = arith.constant 0 : i32
    return %c0_i32, %c0_i32_0 : i32, i32
  }
  func.func @transform_8(%arg0: i32) -> (i32, i32) {
    %c0_i32 = arith.constant 0 : i32
    %c0_i32_0 = arith.constant 0 : i32
    %c0_i32_1 = arith.constant 0 : i32
    return %c0_i32, %c0_i32_0 : i32, i32
  }
  func.func @transform_9(%arg0: i32) -> (i32, i32) {
    %c0_i32 = arith.constant 0 : i32
    %c0_i32_0 = arith.constant 0 : i32
    %c0_i32_1 = arith.constant 0 : i32
    return %c0_i32, %c0_i32_0 : i32, i32
  }
  func.func @transform_10(%arg0: i32) -> (i32, i32) {
    %c0_i32 = arith.constant 0 : i32
    %c0_i32_0 = arith.constant 0 : i32
    %c0_i32_1 = arith.constant 0 : i32
    return %c0_i32, %c0_i32_0 : i32, i32
  }
  func.func @transform_11(%arg0: i32) -> (i32, i32) {
    %c0_i32 = arith.constant 0 : i32
    %c0_i32_0 = arith.constant 0 : i32
    %c0_i32_1 = arith.constant 0 : i32
    return %c0_i32, %c0_i32_0 : i32, i32
  }
  func.func @transform_12(%arg0: i32) -> (i32, i32) {
    %c0_i32 = arith.constant 0 : i32
    %c0_i32_0 = arith.constant 0 : i32
    return %arg0, %c0_i32 : i32, i32
  }
}

module attributes {stable_mosaic.version = 14 : i64} {
  func.func @_k2_body(%arg0: i32, %arg1: i32, %arg2: i32, %arg3: memref<1024x128xf32, #tpu.memory_space<vmem>>, %arg4: memref<1024x128xf32, #tpu.memory_space<vmem>>, %arg5: memref<1024x128xf32, #tpu.memory_space<vmem>>, %arg6: memref<1024x128xf32, #tpu.memory_space<vmem>>, %arg7: memref<1024x1xf32, #tpu.memory_space<vmem>>, %arg8: memref<1024x1xf32, #tpu.memory_space<vmem>>) attributes {dimension_semantics = [#tpu.dimension_semantics<arbitrary>, #tpu.dimension_semantics<arbitrary>, #tpu.dimension_semantics<arbitrary>], iteration_bounds = array<i64: 8, 2, 2>, scalar_prefetch = 0 : i64, scratch_operands = 2 : i64, tpu.core_type = #tpu.core_type<tc>, window_params = [{transform_indices = @transform_0, window_bounds = array<i64: 1024, 128>}, {transform_indices = @transform_1, window_bounds = array<i64: 1024, 128>}, {transform_indices = @transform_2, window_bounds = array<i64: 1024, 128>}, {transform_indices = @transform_3, window_bounds = array<i64: 1024, 128>}]} {
    %eq3A = arith.constant 0 : i32
    %eq3A_0 = arith.cmpi eq, %arg2, %eq3A : i32
    %convert_element_type3A = arith.extui %eq3A_0 : i1 to i32
    %cond3A = arith.constant 0 : i32
    %cond3A_1 = arith.cmpi ne, %convert_element_type3A, %cond3A : i32
    scf.if %cond3A_1 {
      %broadcast_in_dim3A_50 = arith.constant 0.000000e+00 : f32
      %broadcast_in_dim3A_51 = vector.broadcast %broadcast_in_dim3A_50 : f32 to vector<1024x128xf32>
      %swap3A_52 = arith.constant 0 : index
      %swap3A_53 = arith.constant 0 : index
      %swap3A_54 = vector.load %arg6[%swap3A_52, %swap3A_53] : memref<1024x128xf32, #tpu.memory_space<vmem>>, vector<1024x128xf32>
      tpu.vector_store %arg6[%swap3A_52, %swap3A_53], %broadcast_in_dim3A_51 {strides = array<i32>} : memref<1024x128xf32, #tpu.memory_space<vmem>>, vector<1024x128xf32>,
      %broadcast_in_dim3A_55 = arith.constant 0xFF800000 : f32
      %broadcast_in_dim3A_56 = vector.broadcast %broadcast_in_dim3A_55 : f32 to vector<1024x1xf32>
      %swap3A_57 = arith.constant 0 : index
      %swap3A_58 = arith.constant 0 : index
      %swap3A_59 = vector.load %arg7[%swap3A_57, %swap3A_58] : memref<1024x1xf32, #tpu.memory_space<vmem>>, vector<1024x1xf32>
      tpu.vector_store %arg7[%swap3A_57, %swap3A_58], %broadcast_in_dim3A_56 {strides = array<i32>} : memref<1024x1xf32, #tpu.memory_space<vmem>>, vector<1024x1xf32>,
      %broadcast_in_dim3A_60 = arith.constant 0.000000e+00 : f32
      %broadcast_in_dim3A_61 = vector.broadcast %broadcast_in_dim3A_60 : f32 to vector<1024x1xf32>
      %swap3A_62 = arith.constant 0 : index
      %swap3A_63 = arith.constant 0 : index
      %swap3A_64 = vector.load %arg8[%swap3A_62, %swap3A_63] : memref<1024x1xf32, #tpu.memory_space<vmem>>, vector<1024x1xf32>
      tpu.vector_store %arg8[%swap3A_62, %swap3A_63], %broadcast_in_dim3A_61 {strides = array<i32>} : memref<1024x1xf32, #tpu.memory_space<vmem>>, vector<1024x1xf32>,
    } else {
    }
    %get3A = arith.constant 0 : index
    %get3A_2 = arith.constant 0 : index
    %get3A_3 = vector.load %arg3[%get3A, %get3A_2] : memref<1024x128xf32, #tpu.memory_space<vmem>>, vector<1024x128xf32>
    %get3A_4 = arith.constant 0 : index
    %get3A_5 = arith.constant 0 : index
    %get3A_6 = vector.load %arg4[%get3A_4, %get3A_5] : memref<1024x128xf32, #tpu.memory_space<vmem>>, vector<1024x128xf32>
    %dot_general3A = arith.constant dense<0.000000e+00> : vector<1024x1024xf32>
    %dot_general3A_7 = tpu.matmul %get3A_3, %get3A_6, %dot_general3A {dimension_numbers = #tpu.dot_dimension_numbers<[1], [1], [0], [0], [0, 0, 1, 0], [], []>, transpose_lhs_hint = false} : vector<1024x128xf32>, vector<1024x128xf32>, vector<1024x1024xf32> -> vector<1024x1024xf32>
    %mul3A = arith.constant 0.0883883461 : f32
    %mul3A_8 = vector.broadcast %mul3A : f32 to vector<1024x1024xf32>
    %mul3A_9 = arith.mulf %dot_general3A_7, %mul3A_8 : vector<1024x1024xf32>
    %reduce_max3A = arith.constant dense<0xFF800000> : vector<1024xf32>
    %reduce_max3A_10 = vector.multi_reduction <maximumf>, %mul3A_9, %reduce_max3A [1] : vector<1024x1024xf32> to vector<1024xf32>
    %broadcast_in_dim3A = vector.shape_cast %reduce_max3A_10 : vector<1024xf32> to vector<1024x1xf32>
    %get3A_11 = arith.constant 0 : index
    %get3A_12 = arith.constant 0 : index
    %get3A_13 = vector.load %arg7[%get3A_11, %get3A_12] : memref<1024x1xf32, #tpu.memory_space<vmem>>, vector<1024x1xf32>
    %max3A = arith.maximumf %get3A_13, %broadcast_in_dim3A : vector<1024x1xf32>
    %eq3A_14 = arith.cmpf oeq, %get3A_13, %max3A : vector<1024x1xf32>
    %sub3A = arith.subf %get3A_13, %max3A : vector<1024x1xf32>
    %jit3A = arith.constant 0.000000e+00 : f32
    %broadcast_in_dim3A_15 = vector.broadcast %jit3A : f32 to vector<1024x1xf32>
    %select_n3A = arith.select %eq3A_14, %broadcast_in_dim3A_15, %sub3A : vector<1024x1xi1>, vector<1024x1xf32>
    %sub3A_16 = vector.broadcast %max3A : vector<1024x1xf32> to vector<1024x1024xf32>
    %sub3A_17 = arith.subf %mul3A_9, %sub3A_16 : vector<1024x1024xf32>
    %exp3A = math.exp %sub3A_17 : vector<1024x1024xf32>
    %reduce_sum3A = arith.constant dense<0.000000e+00> : vector<1024xf32>
    %reduce_sum3A_18 = vector.multi_reduction <add>, %exp3A, %reduce_sum3A [1] : vector<1024x1024xf32> to vector<1024xf32>
    %broadcast_in_dim3A_19 = vector.shape_cast %reduce_sum3A_18 : vector<1024xf32> to vector<1024x1xf32>
    %get3A_20 = arith.constant 0 : index
    %get3A_21 = arith.constant 0 : index
    %get3A_22 = vector.load %arg8[%get3A_20, %get3A_21] : memref<1024x1xf32, #tpu.memory_space<vmem>>, vector<1024x1xf32>
    %exp3A_23 = math.exp %select_n3A : vector<1024x1xf32>
    %mul3A_24 = arith.mulf %exp3A_23, %get3A_22 : vector<1024x1xf32>
    %add3A = arith.addf %mul3A_24, %broadcast_in_dim3A_19 : vector<1024x1xf32>
    %exp3A_25 = math.exp %select_n3A : vector<1024x1xf32>
    %mul3A_26 = arith.mulf %exp3A_25, %get3A_22 : vector<1024x1xf32>
    %get3A_27 = arith.constant 0 : index
    %get3A_28 = arith.constant 0 : index
    %get3A_29 = vector.load %arg6[%get3A_27, %get3A_28] : memref<1024x128xf32, #tpu.memory_space<vmem>>, vector<1024x128xf32>
    %mul3A_30 = vector.broadcast %mul3A_26 : vector<1024x1xf32> to vector<1024x128xf32>
    %mul3A_31 = arith.mulf %mul3A_30, %get3A_29 : vector<1024x128xf32>
    %get3A_32 = arith.constant 0 : index
    %get3A_33 = arith.constant 0 : index
    %get3A_34 = vector.load %arg5[%get3A_32, %get3A_33] : memref<1024x128xf32, #tpu.memory_space<vmem>>, vector<1024x128xf32>
    %dot_general3A_35 = arith.constant dense<0.000000e+00> : vector<1024x128xf32>
    %dot_general3A_36 = tpu.matmul %exp3A, %get3A_34, %dot_general3A_35 {dimension_numbers = #tpu.dot_dimension_numbers<[1], [0], [0], [1], [0, 0, 1, 1], [], []>, transpose_lhs_hint = false} : vector<1024x1024xf32>, vector<1024x128xf32>, vector<1024x128xf32> -> vector<1024x128xf32>
    %add3A_37 = arith.addf %mul3A_31, %dot_general3A_36 : vector<1024x128xf32>
    %div3A = arith.constant 1.000000e+00 : f32
    %div3A_38 = vector.broadcast %div3A : f32 to vector<1024x1xf32>
    %div3A_39 = arith.divf %div3A_38, %add3A : vector<1024x1xf32>
    %mul3A_40 = vector.broadcast %div3A_39 : vector<1024x1xf32> to vector<1024x128xf32>
    %mul3A_41 = arith.mulf %add3A_37, %mul3A_40 : vector<1024x128xf32>
    %swap3A = arith.constant 0 : index
    %swap3A_42 = arith.constant 0 : index
    %swap3A_43 = vector.load %arg6[%swap3A, %swap3A_42] : memref<1024x128xf32, #tpu.memory_space<vmem>>, vector<1024x128xf32>
    tpu.vector_store %arg6[%swap3A, %swap3A_42], %mul3A_41 {strides = array<i32>} : memref<1024x128xf32, #tpu.memory_space<vmem>>, vector<1024x128xf32>,
    %swap3A_44 = arith.constant 0 : index
    %swap3A_45 = arith.constant 0 : index
    %swap3A_46 = vector.load %arg7[%swap3A_44, %swap3A_45] : memref<1024x1xf32, #tpu.memory_space<vmem>>, vector<1024x1xf32>
    tpu.vector_store %arg7[%swap3A_44, %swap3A_45], %max3A {strides = array<i32>} : memref<1024x1xf32, #tpu.memory_space<vmem>>, vector<1024x1xf32>,
    %swap3A_47 = arith.constant 0 : index
    %swap3A_48 = arith.constant 0 : index
    %swap3A_49 = vector.load %arg8[%swap3A_47, %swap3A_48] : memref<1024x1xf32, #tpu.memory_space<vmem>>, vector<1024x1xf32>
    tpu.vector_store %arg8[%swap3A_47, %swap3A_48], %add3A {strides = array<i32>} : memref<1024x1xf32, #tpu.memory_space<vmem>>, vector<1024x1xf32>,
    return
  }
  func.func @transform_0(%arg0: i32, %arg1: i32, %arg2: i32) -> (i32, i32) {
    %c0_i32 = arith.constant 0 : i32
    return %arg1, %arg0 : i32, i32
  }
  func.func @transform_1(%arg0: i32, %arg1: i32, %arg2: i32) -> (i32, i32) {
    %add3A = arith.constant 8 : i32
    %add3A_0 = arith.addi %add3A, %arg0 : i32
    %c0_i32 = arith.constant 0 : i32
    return %arg2, %add3A_0 : i32, i32
  }
  func.func @transform_2(%arg0: i32, %arg1: i32, %arg2: i32) -> (i32, i32) {
    %add3A = arith.constant 16 : i32
    %add3A_0 = arith.addi %add3A, %arg0 : i32
    %c0_i32 = arith.constant 0 : i32
    return %arg2, %add3A_0 : i32, i32
  }
  func.func @transform_3(%arg0: i32, %arg1: i32, %arg2: i32) -> (i32, i32) {
    %c0_i32 = arith.constant 0 : i32
    return %arg1, %arg0 : i32, i32
  }
}

module attributes {stable_mosaic.version = 14 : i64} {
  func.func @_k3a_body(%arg0: i32, %arg1: memref<512x1024xf32, #tpu.memory_space<vmem>>, %arg2: memref<1024x1024xf32, #tpu.memory_space<vmem>>, %arg3: memref<1x1024xf32, #tpu.memory_space<vmem>>, %arg4: memref<1024x1024xf32, #tpu.memory_space<vmem>>, %arg5: memref<1x1024xf32, #tpu.memory_space<vmem>>, %arg6: memref<1024x1024xf32, #tpu.memory_space<vmem>>, %arg7: memref<1x1024xf32, #tpu.memory_space<vmem>>, %arg8: memref<512x8xf32, #tpu.memory_space<vmem>>, %arg9: memref<512x2xi32, #tpu.memory_space<vmem>>, %arg10: memref<512x2xf32, #tpu.memory_space<vmem>>) attributes {dimension_semantics = [#tpu.dimension_semantics<arbitrary>], iteration_bounds = array<i64: 4>, scalar_prefetch = 0 : i64, scratch_operands = 0 : i64, tpu.core_type = #tpu.core_type<tc>, window_params = [{transform_indices = @transform_0, window_bounds = array<i64: 512, 1024>}, {pipeline_mode = #tpu.pipeline_mode<synchronous>, transform_indices = @transform_1, window_bounds = array<i64: 1024, 1024>}, {pipeline_mode = #tpu.pipeline_mode<synchronous>, transform_indices = @transform_2, window_bounds = array<i64: 1, 1024>}, {pipeline_mode = #tpu.pipeline_mode<synchronous>, transform_indices = @transform_3, window_bounds = array<i64: 1024, 1024>}, {pipeline_mode = #tpu.pipeline_mode<synchronous>, transform_indices = @transform_4, window_bounds = array<i64: 1, 1024>}, {pipeline_mode = #tpu.pipeline_mode<synchronous>, transform_indices = @transform_5, window_bounds = array<i64: 1024, 1024>}, {pipeline_mode = #tpu.pipeline_mode<synchronous>, transform_indices = @transform_6, window_bounds = array<i64: 1, 1024>}, {transform_indices = @transform_7, window_bounds = array<i64: 512, 8>}, {transform_indices = @transform_8, window_bounds = array<i64: 512, 2>}, {transform_indices = @transform_9, window_bounds = array<i64: 512, 2>}]} {
    %get3A = arith.constant 0 : index
    %get3A_0 = arith.constant 0 : index
    %get3A_1 = vector.load %arg1[%get3A, %get3A_0] : memref<512x1024xf32, #tpu.memory_space<vmem>>, vector<512x1024xf32>
    %get3A_2 = arith.constant 0 : index
    %get3A_3 = arith.constant 0 : index
    %get3A_4 = vector.load %arg2[%get3A_2, %get3A_3] : memref<1024x1024xf32, #tpu.memory_space<vmem>>, vector<1024x1024xf32>
    %dot_general3A = arith.constant dense<0.000000e+00> : vector<512x1024xf32>
    %dot_general3A_5 = tpu.matmul %get3A_1, %get3A_4, %dot_general3A {dimension_numbers = #tpu.dot_dimension_numbers<[1], [1], [0], [0], [0, 0, 1, 0], [], []>, transpose_lhs_hint = false} : vector<512x1024xf32>, vector<1024x1024xf32>, vector<512x1024xf32> -> vector<512x1024xf32>
    %get3A_6 = arith.constant 0 : index
    %get3A_7 = arith.constant 0 : index
    %get3A_8 = vector.load %arg3[%get3A_6, %get3A_7] : memref<1x1024xf32, #tpu.memory_space<vmem>>, vector<1x1024xf32>
    %add3A = vector.broadcast %get3A_8 : vector<1x1024xf32> to vector<512x1024xf32>
    %add3A_9 = arith.addf %dot_general3A_5, %add3A : vector<512x1024xf32>
    %get3A_10 = arith.constant 0 : index
    %get3A_11 = arith.constant 0 : index
    %get3A_12 = vector.load %arg4[%get3A_10, %get3A_11] : memref<1024x1024xf32, #tpu.memory_space<vmem>>, vector<1024x1024xf32>
    %dot_general3A_13 = arith.constant dense<0.000000e+00> : vector<512x1024xf32>
    %dot_general3A_14 = tpu.matmul %add3A_9, %get3A_12, %dot_general3A_13 {dimension_numbers = #tpu.dot_dimension_numbers<[1], [0], [0], [1], [0, 0, 1, 1], [], []>, transpose_lhs_hint = false} : vector<512x1024xf32>, vector<1024x1024xf32>, vector<512x1024xf32> -> vector<512x1024xf32>
    %get3A_15 = arith.constant 0 : index
    %get3A_16 = arith.constant 0 : index
    %get3A_17 = vector.load %arg5[%get3A_15, %get3A_16] : memref<1x1024xf32, #tpu.memory_space<vmem>>, vector<1x1024xf32>
    %add3A_18 = vector.broadcast %get3A_17 : vector<1x1024xf32> to vector<512x1024xf32>
    %add3A_19 = arith.addf %dot_general3A_14, %add3A_18 : vector<512x1024xf32>
    %max3A = arith.constant 0.000000e+00 : f32
    %max3A_20 = vector.broadcast %max3A : f32 to vector<512x1024xf32>
    %max3A_21 = arith.maximumf %add3A_19, %max3A_20 : vector<512x1024xf32>
    %get3A_22 = arith.constant 0 : index
    %get3A_23 = arith.constant 0 : index
    %get3A_24 = vector.load %arg6[%get3A_22, %get3A_23] : memref<1024x1024xf32, #tpu.memory_space<vmem>>, vector<1024x1024xf32>
    %dot_general3A_25 = arith.constant dense<0.000000e+00> : vector<512x1024xf32>
    %dot_general3A_26 = tpu.matmul %max3A_21, %get3A_24, %dot_general3A_25 {dimension_numbers = #tpu.dot_dimension_numbers<[1], [0], [0], [1], [0, 0, 1, 1], [], []>, transpose_lhs_hint = false} : vector<512x1024xf32>, vector<1024x1024xf32>, vector<512x1024xf32> -> vector<512x1024xf32>
    %get3A_27 = arith.constant 0 : index
    %get3A_28 = arith.constant 0 : index
    %get3A_29 = vector.load %arg7[%get3A_27, %get3A_28] : memref<1x1024xf32, #tpu.memory_space<vmem>>, vector<1x1024xf32>
    %add3A_30 = vector.broadcast %get3A_29 : vector<1x1024xf32> to vector<512x1024xf32>
    %add3A_31 = arith.addf %dot_general3A_26, %add3A_30 : vector<512x1024xf32>
    %slice3A = vector.extract_strided_slice %add3A_31 {offsets = [0, 0], sizes = [512, 8], strides = [1, 1]} : vector<512x1024xf32> to vector<512x8xf32>
    %reduce_max3A = arith.constant dense<0xFF800000> : vector<512xf32>
    %reduce_max3A_32 = vector.multi_reduction <maximumf>, %slice3A, %reduce_max3A [1] : vector<512x8xf32> to vector<512xf32>
    %broadcast_in_dim3A = vector.shape_cast %reduce_max3A_32 : vector<512xf32> to vector<512x1xf32>
    %sub3A = vector.broadcast %broadcast_in_dim3A : vector<512x1xf32> to vector<512x8xf32>
    %sub3A_33 = arith.subf %slice3A, %sub3A : vector<512x8xf32>
    %exp3A = math.exp %sub3A_33 : vector<512x8xf32>
    %reduce_sum3A = arith.constant dense<0.000000e+00> : vector<512xf32>
    %reduce_sum3A_34 = vector.multi_reduction <add>, %exp3A, %reduce_sum3A [1] : vector<512x8xf32> to vector<512xf32>
    %broadcast_in_dim3A_35 = vector.shape_cast %reduce_sum3A_34 : vector<512xf32> to vector<512x1xf32>
    %div3A = vector.broadcast %broadcast_in_dim3A_35 : vector<512x1xf32> to vector<512x8xf32>
    %div3A_36 = arith.divf %exp3A, %div3A : vector<512x8xf32>
    %swap3A = arith.constant 0 : index
    %swap3A_37 = arith.constant 0 : index
    %swap3A_38 = vector.load %arg8[%swap3A, %swap3A_37] : memref<512x8xf32, #tpu.memory_space<vmem>>, vector<512x8xf32>
    tpu.vector_store %arg8[%swap3A, %swap3A_37], %div3A_36 {strides = array<i32>} : memref<512x8xf32, #tpu.memory_space<vmem>>, vector<512x8xf32>,
    %iota3A = tpu.iota {dimensions = array<i32: 1>} : vector<512x8xi32>
    %reduce_max3A_39 = arith.constant dense<0xFF800000> : vector<512xf32>
    %reduce_max3A_40 = vector.multi_reduction <maximumf>, %div3A_36, %reduce_max3A_39 [1] : vector<512x8xf32> to vector<512xf32>
    %broadcast_in_dim3A_41 = vector.shape_cast %reduce_max3A_40 : vector<512xf32> to vector<512x1xf32>
    %eq3A = vector.broadcast %broadcast_in_dim3A_41 : vector<512x1xf32> to vector<512x8xf32>
    %eq3A_42 = arith.cmpf oeq, %div3A_36, %eq3A : vector<512x8xf32>
    %jit3A = arith.constant 8 : i32
    %broadcast_in_dim3A_43 = vector.broadcast %jit3A : i32 to vector<512x8xi32>
    %select_n3A = arith.select %eq3A_42, %iota3A, %broadcast_in_dim3A_43 : vector<512x8xi1>, vector<512x8xi32>
    %reduce_min3A = arith.constant dense<2147483647> : vector<512xi32>
    %reduce_min3A_44 = vector.multi_reduction <minsi>, %select_n3A, %reduce_min3A [1] : vector<512x8xi32> to vector<512xi32>
    %broadcast_in_dim3A_45 = vector.shape_cast %reduce_min3A_44 : vector<512xi32> to vector<512x1xi32>
    %eq3A_46 = vector.broadcast %broadcast_in_dim3A_45 : vector<512x1xi32> to vector<512x8xi32>
    %eq3A_47 = arith.cmpi eq, %iota3A, %eq3A_46 : vector<512x8xi32>
    %jit3A_48 = arith.constant -1.000000e+00 : f32
    %broadcast_in_dim3A_49 = vector.broadcast %jit3A_48 : f32 to vector<512x8xf32>
    %select_n3A_50 = arith.select %eq3A_47, %broadcast_in_dim3A_49, %div3A_36 : vector<512x8xi1>, vector<512x8xf32>
    %reduce_max3A_51 = arith.constant dense<0xFF800000> : vector<512xf32>
    %reduce_max3A_52 = vector.multi_reduction <maximumf>, %select_n3A_50, %reduce_max3A_51 [1] : vector<512x8xf32> to vector<512xf32>
    %broadcast_in_dim3A_53 = vector.shape_cast %reduce_max3A_52 : vector<512xf32> to vector<512x1xf32>
    %eq3A_54 = vector.broadcast %broadcast_in_dim3A_53 : vector<512x1xf32> to vector<512x8xf32>
    %eq3A_55 = arith.cmpf oeq, %select_n3A_50, %eq3A_54 : vector<512x8xf32>
    %jit3A_56 = arith.constant 8 : i32
    %broadcast_in_dim3A_57 = vector.broadcast %jit3A_56 : i32 to vector<512x8xi32>
    %select_n3A_58 = arith.select %eq3A_55, %iota3A, %broadcast_in_dim3A_57 : vector<512x8xi1>, vector<512x8xi32>
    %reduce_min3A_59 = arith.constant dense<2147483647> : vector<512xi32>
    %reduce_min3A_60 = vector.multi_reduction <minsi>, %select_n3A_58, %reduce_min3A_59 [1] : vector<512x8xi32> to vector<512xi32>
    %broadcast_in_dim3A_61 = vector.shape_cast %reduce_min3A_60 : vector<512xi32> to vector<512x1xi32>
    %concatenate3A = tpu.concatenate %broadcast_in_dim3A_45, %broadcast_in_dim3A_61 in 1 : vector<512x1xi32>, vector<512x1xi32> -> vector<512x2xi32>
    %swap3A_62 = arith.constant 0 : index
    %swap3A_63 = arith.constant 0 : index
    %swap3A_64 = vector.load %arg9[%swap3A_62, %swap3A_63] : memref<512x2xi32, #tpu.memory_space<vmem>>, vector<512x2xi32>
    tpu.vector_store %arg9[%swap3A_62, %swap3A_63], %concatenate3A {strides = array<i32>} : memref<512x2xi32, #tpu.memory_space<vmem>>, vector<512x2xi32>,
    %concatenate3A_65 = tpu.concatenate %broadcast_in_dim3A_41, %broadcast_in_dim3A_53 in 1 : vector<512x1xf32>, vector<512x1xf32> -> vector<512x2xf32>
    %reduce_sum3A_66 = arith.constant dense<0.000000e+00> : vector<512xf32>
    %reduce_sum3A_67 = vector.multi_reduction <add>, %concatenate3A_65, %reduce_sum3A_66 [1] : vector<512x2xf32> to vector<512xf32>
    %broadcast_in_dim3A_68 = vector.shape_cast %reduce_sum3A_67 : vector<512xf32> to vector<512x1xf32>
    %div3A_69 = vector.broadcast %broadcast_in_dim3A_68 : vector<512x1xf32> to vector<512x2xf32>
    %div3A_70 = arith.divf %concatenate3A_65, %div3A_69 : vector<512x2xf32>
    %swap3A_71 = arith.constant 0 : index
    %swap3A_72 = arith.constant 0 : index
    %swap3A_73 = vector.load %arg10[%swap3A_71, %swap3A_72] : memref<512x2xf32, #tpu.memory_space<vmem>>, vector<512x2xf32>
    tpu.vector_store %arg10[%swap3A_71, %swap3A_72], %div3A_70 {strides = array<i32>} : memref<512x2xf32, #tpu.memory_space<vmem>>, vector<512x2xf32>,
    return
  }
  func.func @transform_0(%arg0: i32) -> (i32, i32) {
    %c0_i32 = arith.constant 0 : i32
    %c0_i32_0 = arith.constant 0 : i32
    return %arg0, %c0_i32 : i32, i32
  }
  func.func @transform_1(%arg0: i32) -> (i32, i32) {
    %c0_i32 = arith.constant 0 : i32
    %c0_i32_0 = arith.constant 0 : i32
    %c0_i32_1 = arith.constant 0 : i32
    return %c0_i32, %c0_i32_0 : i32, i32
  }
  func.func @transform_2(%arg0: i32) -> (i32, i32) {
    %c0_i32 = arith.constant 0 : i32
    %c0_i32_0 = arith.constant 0 : i32
    %c0_i32_1 = arith.constant 0 : i32
    return %c0_i32, %c0_i32_0 : i32, i32
  }
  func.func @transform_3(%arg0: i32) -> (i32, i32) {
    %c0_i32 = arith.constant 0 : i32
    %c0_i32_0 = arith.constant 0 : i32
    %c0_i32_1 = arith.constant 0 : i32
    return %c0_i32, %c0_i32_0 : i32, i32
  }
  func.func @transform_4(%arg0: i32) -> (i32, i32) {
    %c0_i32 = arith.constant 0 : i32
    %c0_i32_0 = arith.constant 0 : i32
    %c0_i32_1 = arith.constant 0 : i32
    return %c0_i32, %c0_i32_0 : i32, i32
  }
  func.func @transform_5(%arg0: i32) -> (i32, i32) {
    %c0_i32 = arith.constant 0 : i32
    %c0_i32_0 = arith.constant 0 : i32
    %c0_i32_1 = arith.constant 0 : i32
    return %c0_i32, %c0_i32_0 : i32, i32
  }
  func.func @transform_6(%arg0: i32) -> (i32, i32) {
    %c0_i32 = arith.constant 0 : i32
    %c0_i32_0 = arith.constant 0 : i32
    %c0_i32_1 = arith.constant 0 : i32
    return %c0_i32, %c0_i32_0 : i32, i32
  }
  func.func @transform_7(%arg0: i32) -> (i32, i32) {
    %c0_i32 = arith.constant 0 : i32
    %c0_i32_0 = arith.constant 0 : i32
    return %arg0, %c0_i32 : i32, i32
  }
  func.func @transform_8(%arg0: i32) -> (i32, i32) {
    %c0_i32 = arith.constant 0 : i32
    %c0_i32_0 = arith.constant 0 : i32
    return %arg0, %c0_i32 : i32, i32
  }
  func.func @transform_9(%arg0: i32) -> (i32, i32) {
    %c0_i32 = arith.constant 0 : i32
    %c0_i32_0 = arith.constant 0 : i32
    return %arg0, %c0_i32 : i32, i32
  }
}

module attributes {stable_mosaic.version = 14 : i64} {
  func.func @_k3b_body(%arg0: i32, %arg1: memref<128x2xi32, #tpu.memory_space<vmem>>, %arg2: memref<128x2xi32, #tpu.memory_space<vmem>>, %arg3: memref<1x8xf32, #tpu.memory_space<vmem>>) attributes {dimension_semantics = [#tpu.dimension_semantics<arbitrary>], iteration_bounds = array<i64: 16>, scalar_prefetch = 0 : i64, scratch_operands = 1 : i64, tpu.core_type = #tpu.core_type<tc>, window_params = [{transform_indices = @transform_0, window_bounds = array<i64: 128, 2>}, {transform_indices = @transform_1, window_bounds = array<i64: 128, 2>}]} {
    %eq3A = arith.constant 0 : i32
    %eq3A_0 = arith.cmpi eq, %arg0, %eq3A : i32
    %convert_element_type3A = arith.extui %eq3A_0 : i1 to i32
    %cond3A = arith.constant 0 : i32
    %cond3A_1 = arith.cmpi ne, %convert_element_type3A, %cond3A : i32
    scf.if %cond3A_1 {
      %broadcast_in_dim3A_63 = arith.constant 0.000000e+00 : f32
      %broadcast_in_dim3A_64 = vector.broadcast %broadcast_in_dim3A_63 : f32 to vector<1x8xf32>
      %swap3A_65 = arith.constant 0 : index
      %swap3A_66 = arith.constant 0 : index
      %swap3A_67 = vector.load %arg3[%swap3A_65, %swap3A_66] : memref<1x8xf32, #tpu.memory_space<vmem>>, vector<1x8xf32>
      tpu.vector_store %arg3[%swap3A_65, %swap3A_66], %broadcast_in_dim3A_64 {strides = array<i32>} : memref<1x8xf32, #tpu.memory_space<vmem>>, vector<1x8xf32>,
    } else {
    }
    %get3A = arith.constant 0 : index
    %get3A_2 = arith.constant 0 : index
    %get3A_3 = vector.load %arg1[%get3A, %get3A_2] : memref<128x2xi32, #tpu.memory_space<vmem>>, vector<128x2xi32>
    %iota3A = tpu.iota {dimensions = array<i32: 1>} : vector<128x8xi32>
    %slice3A = vector.extract_strided_slice %get3A_3 {offsets = [0, 0], sizes = [128, 1], strides = [1, 1]} : vector<128x2xi32> to vector<128x1xi32>
    %eq3A_4 = vector.broadcast %slice3A : vector<128x1xi32> to vector<128x8xi32>
    %eq3A_5 = arith.cmpi eq, %iota3A, %eq3A_4 : vector<128x8xi32>
    %convert_element_type3A_6 = arith.extui %eq3A_5 : vector<128x8xi1> to vector<128x8xi32>
    %convert_element_type3A_7 = arith.sitofp %convert_element_type3A_6 : vector<128x8xi32> to vector<128x8xf32>
    %slice3A_8 = vector.extract_strided_slice %get3A_3 {offsets = [0, 1], sizes = [128, 1], strides = [1, 1]} : vector<128x2xi32> to vector<128x1xi32>
    %eq3A_9 = vector.broadcast %slice3A_8 : vector<128x1xi32> to vector<128x8xi32>
    %eq3A_10 = arith.cmpi eq, %iota3A, %eq3A_9 : vector<128x8xi32>
    %convert_element_type3A_11 = arith.extui %eq3A_10 : vector<128x8xi1> to vector<128x8xi32>
    %convert_element_type3A_12 = arith.sitofp %convert_element_type3A_11 : vector<128x8xi32> to vector<128x8xf32>
    %add3A = arith.addf %convert_element_type3A_7, %convert_element_type3A_12 : vector<128x8xf32>
    %iota3A_13 = tpu.iota {dimensions = array<i32: 0>} : vector<128x128xi32>
    %iota3A_14 = tpu.iota {dimensions = array<i32: 1>} : vector<128x128xi32>
    %lt3A = arith.cmpi slt, %iota3A_14, %iota3A_13 : vector<128x128xi32>
    %convert_element_type3A_15 = arith.extui %lt3A : vector<128x128xi1> to vector<128x128xi32>
    %convert_element_type3A_16 = arith.sitofp %convert_element_type3A_15 : vector<128x128xi32> to vector<128x128xf32>
    %dot_general3A = arith.constant dense<0.000000e+00> : vector<128x8xf32>
    %dot_general3A_17 = tpu.matmul %convert_element_type3A_16, %add3A, %dot_general3A {dimension_numbers = #tpu.dot_dimension_numbers<[1], [0], [0], [1], [0, 0, 1, 1], [], []>, transpose_lhs_hint = false} : vector<128x128xf32>, vector<128x8xf32>, vector<128x8xf32> -> vector<128x8xf32>
    %get3A_18 = arith.constant 0 : index
    %get3A_19 = arith.constant 0 : index
    %get3A_20 = vector.load %arg3[%get3A_18, %get3A_19] : memref<1x8xf32, #tpu.memory_space<vmem>>, vector<1x8xf32>
    %add3A_21 = vector.broadcast %get3A_20 : vector<1x8xf32> to vector<128x8xf32>
    %add3A_22 = arith.addf %dot_general3A_17, %add3A_21 : vector<128x8xf32>
    %get3A_23 = arith.constant 0 : index
    %get3A_24 = arith.constant 0 : index
    %get3A_25 = vector.load %arg3[%get3A_23, %get3A_24] : memref<1x8xf32, #tpu.memory_space<vmem>>, vector<1x8xf32>
    %reduce_sum3A = arith.constant dense<0.000000e+00> : vector<8xf32>
    %reduce_sum3A_26 = vector.multi_reduction <add>, %add3A, %reduce_sum3A [0] : vector<128x8xf32> to vector<8xf32>
    %broadcast_in_dim3A = vector.shape_cast %reduce_sum3A_26 : vector<8xf32> to vector<1x8xf32>
    %add3A_27 = arith.addf %get3A_25, %broadcast_in_dim3A : vector<1x8xf32>
    %swap3A = arith.constant 0 : index
    %swap3A_28 = arith.constant 0 : index
    %swap3A_29 = vector.load %arg3[%swap3A, %swap3A_28] : memref<1x8xf32, #tpu.memory_space<vmem>>, vector<1x8xf32>
    tpu.vector_store %arg3[%swap3A, %swap3A_28], %add3A_27 {strides = array<i32>} : memref<1x8xf32, #tpu.memory_space<vmem>>, vector<1x8xf32>,
    %mul3A = arith.mulf %add3A_22, %convert_element_type3A_7 : vector<128x8xf32>
    %reduce_sum3A_30 = arith.constant dense<0.000000e+00> : vector<128xf32>
    %reduce_sum3A_31 = vector.multi_reduction <add>, %mul3A, %reduce_sum3A_30 [1] : vector<128x8xf32> to vector<128xf32>
    %broadcast_in_dim3A_32 = vector.shape_cast %reduce_sum3A_31 : vector<128xf32> to vector<128x1xf32>
    %add3A_33 = arith.addf %add3A_22, %convert_element_type3A_7 : vector<128x8xf32>
    %mul3A_34 = arith.mulf %add3A_33, %convert_element_type3A_12 : vector<128x8xf32>
    %reduce_sum3A_35 = arith.constant dense<0.000000e+00> : vector<128xf32>
    %reduce_sum3A_36 = vector.multi_reduction <add>, %mul3A_34, %reduce_sum3A_35 [1] : vector<128x8xf32> to vector<128xf32>
    %broadcast_in_dim3A_37 = vector.shape_cast %reduce_sum3A_36 : vector<128xf32> to vector<128x1xf32>
    %lt3A_38 = arith.constant 7.680000e+02 : f32
    %lt3A_39 = vector.broadcast %lt3A_38 : f32 to vector<128x1xf32>
    %lt3A_40 = arith.cmpf olt, %broadcast_in_dim3A_32, %lt3A_39 : vector<128x1xf32>
    %slice3A_41 = vector.extract_strided_slice %get3A_3 {offsets = [0, 0], sizes = [128, 1], strides = [1, 1]} : vector<128x2xi32> to vector<128x1xi32>
    %mul3A_42 = arith.constant 768 : i32
    %mul3A_43 = vector.broadcast %mul3A_42 : i32 to vector<128x1xi32>
    %mul3A_44 = arith.muli %slice3A_41, %mul3A_43 : vector<128x1xi32>
    %convert_element_type3A_45 = arith.fptosi %broadcast_in_dim3A_32 : vector<128x1xf32> to vector<128x1xi32>
    %add3A_46 = arith.addi %mul3A_44, %convert_element_type3A_45 : vector<128x1xi32>
    %jit3A = arith.constant -1 : i32
    %broadcast_in_dim3A_47 = vector.broadcast %jit3A : i32 to vector<128x1xi32>
    %select_n3A = arith.select %lt3A_40, %add3A_46, %broadcast_in_dim3A_47 : vector<128x1xi1>, vector<128x1xi32>
    %lt3A_48 = arith.constant 7.680000e+02 : f32
    %lt3A_49 = vector.broadcast %lt3A_48 : f32 to vector<128x1xf32>
    %lt3A_50 = arith.cmpf olt, %broadcast_in_dim3A_37, %lt3A_49 : vector<128x1xf32>
    %slice3A_51 = vector.extract_strided_slice %get3A_3 {offsets = [0, 1], sizes = [128, 1], strides = [1, 1]} : vector<128x2xi32> to vector<128x1xi32>
    %mul3A_52 = arith.constant 768 : i32
    %mul3A_53 = vector.broadcast %mul3A_52 : i32 to vector<128x1xi32>
    %mul3A_54 = arith.muli %slice3A_51, %mul3A_53 : vector<128x1xi32>
    %convert_element_type3A_55 = arith.fptosi %broadcast_in_dim3A_37 : vector<128x1xf32> to vector<128x1xi32>
    %add3A_56 = arith.addi %mul3A_54, %convert_element_type3A_55 : vector<128x1xi32>
    %jit3A_57 = arith.constant -1 : i32
    %broadcast_in_dim3A_58 = vector.broadcast %jit3A_57 : i32 to vector<128x1xi32>
    %select_n3A_59 = arith.select %lt3A_50, %add3A_56, %broadcast_in_dim3A_58 : vector<128x1xi1>, vector<128x1xi32>
    %concatenate3A = tpu.concatenate %select_n3A, %select_n3A_59 in 1 : vector<128x1xi32>, vector<128x1xi32> -> vector<128x2xi32>
    %swap3A_60 = arith.constant 0 : index
    %swap3A_61 = arith.constant 0 : index
    %swap3A_62 = vector.load %arg2[%swap3A_60, %swap3A_61] : memref<128x2xi32, #tpu.memory_space<vmem>>, vector<128x2xi32>
    tpu.vector_store %arg2[%swap3A_60, %swap3A_61], %concatenate3A {strides = array<i32>} : memref<128x2xi32, #tpu.memory_space<vmem>>, vector<128x2xi32>,
    return
  }
  func.func @transform_0(%arg0: i32) -> (i32, i32) {
    %c0_i32 = arith.constant 0 : i32
    %c0_i32_0 = arith.constant 0 : i32
    return %arg0, %c0_i32 : i32, i32
  }
  func.func @transform_1(%arg0: i32) -> (i32, i32) {
    %c0_i32 = arith.constant 0 : i32
    %c0_i32_0 = arith.constant 0 : i32
    return %arg0, %c0_i32 : i32, i32
  }
}

module attributes {stable_mosaic.version = 14 : i64} {
  func.func @_k4_body(%arg0: i32, %arg1: memref<128x2xi32, #tpu.memory_space<vmem>>, %arg2: memref<128x2xf32, #tpu.memory_space<vmem>>, %arg3: memref<128x6144xf32, #tpu.memory_space<vmem>>, %arg4: memref<128x6144xf32, #tpu.memory_space<vmem>>) attributes {dimension_semantics = [#tpu.dimension_semantics<arbitrary>], iteration_bounds = array<i64: 16>, scalar_prefetch = 0 : i64, scratch_operands = 0 : i64, tpu.core_type = #tpu.core_type<tc>, window_params = [{transform_indices = @transform_0, window_bounds = array<i64: 128, 2>}, {transform_indices = @transform_1, window_bounds = array<i64: 128, 2>}, {transform_indices = @transform_2, window_bounds = array<i64: 128, 6144>}, {transform_indices = @transform_3, window_bounds = array<i64: 128, 6144>}]} {
    %get3A = arith.constant 0 : index
    %get3A_0 = arith.constant 0 : index
    %get3A_1 = vector.load %arg1[%get3A, %get3A_0] : memref<128x2xi32, #tpu.memory_space<vmem>>, vector<128x2xi32>
    %get3A_2 = arith.constant 0 : index
    %get3A_3 = arith.constant 0 : index
    %get3A_4 = vector.load %arg2[%get3A_2, %get3A_3] : memref<128x2xf32, #tpu.memory_space<vmem>>, vector<128x2xf32>
    %iota3A = tpu.iota {dimensions = array<i32: 1>} : vector<128x6144xi32>
    %slice3A = vector.extract_strided_slice %get3A_1 {offsets = [0, 0], sizes = [128, 1], strides = [1, 1]} : vector<128x2xi32> to vector<128x1xi32>
    %eq3A = vector.broadcast %slice3A : vector<128x1xi32> to vector<128x6144xi32>
    %eq3A_5 = arith.cmpi eq, %iota3A, %eq3A : vector<128x6144xi32>
    %slice3A_6 = vector.extract_strided_slice %get3A_1 {offsets = [0, 1], sizes = [128, 1], strides = [1, 1]} : vector<128x2xi32> to vector<128x1xi32>
    %eq3A_7 = vector.broadcast %slice3A_6 : vector<128x1xi32> to vector<128x6144xi32>
    %eq3A_8 = arith.cmpi eq, %iota3A, %eq3A_7 : vector<128x6144xi32>
    %convert_element_type3A = arith.extui %eq3A_5 : vector<128x6144xi1> to vector<128x6144xi32>
    %convert_element_type3A_9 = arith.sitofp %convert_element_type3A : vector<128x6144xi32> to vector<128x6144xf32>
    %convert_element_type3A_10 = arith.extui %eq3A_8 : vector<128x6144xi1> to vector<128x6144xi32>
    %convert_element_type3A_11 = arith.sitofp %convert_element_type3A_10 : vector<128x6144xi32> to vector<128x6144xf32>
    %add3A = arith.addf %convert_element_type3A_9, %convert_element_type3A_11 : vector<128x6144xf32>
    %swap3A = arith.constant 0 : index
    %swap3A_12 = arith.constant 0 : index
    %swap3A_13 = vector.load %arg3[%swap3A, %swap3A_12] : memref<128x6144xf32, #tpu.memory_space<vmem>>, vector<128x6144xf32>
    tpu.vector_store %arg3[%swap3A, %swap3A_12], %add3A {strides = array<i32>} : memref<128x6144xf32, #tpu.memory_space<vmem>>, vector<128x6144xf32>,
    %slice3A_14 = vector.extract_strided_slice %get3A_4 {offsets = [0, 0], sizes = [128, 1], strides = [1, 1]} : vector<128x2xf32> to vector<128x1xf32>
    %jit3A = arith.constant 0.000000e+00 : f32
    %broadcast_in_dim3A = vector.shape_cast %slice3A_14 : vector<128x1xf32> to vector<128x1xf32>
    %broadcast_in_dim3A_15 = vector.broadcast %broadcast_in_dim3A : vector<128x1xf32> to vector<128x6144xf32>
    %broadcast_in_dim3A_16 = vector.broadcast %jit3A : f32 to vector<128x6144xf32>
    %select_n3A = arith.select %eq3A_5, %broadcast_in_dim3A_15, %broadcast_in_dim3A_16 : vector<128x6144xi1>, vector<128x6144xf32>
    %slice3A_17 = vector.extract_strided_slice %get3A_4 {offsets = [0, 1], sizes = [128, 1], strides = [1, 1]} : vector<128x2xf32> to vector<128x1xf32>
    %jit3A_18 = arith.constant 0.000000e+00 : f32
    %broadcast_in_dim3A_19 = vector.shape_cast %slice3A_17 : vector<128x1xf32> to vector<128x1xf32>
    %broadcast_in_dim3A_20 = vector.broadcast %broadcast_in_dim3A_19 : vector<128x1xf32> to vector<128x6144xf32>
    %broadcast_in_dim3A_21 = vector.broadcast %jit3A_18 : f32 to vector<128x6144xf32>
    %select_n3A_22 = arith.select %eq3A_8, %broadcast_in_dim3A_20, %broadcast_in_dim3A_21 : vector<128x6144xi1>, vector<128x6144xf32>
    %add3A_23 = arith.addf %select_n3A, %select_n3A_22 : vector<128x6144xf32>
    %swap3A_24 = arith.constant 0 : index
    %swap3A_25 = arith.constant 0 : index
    %swap3A_26 = vector.load %arg4[%swap3A_24, %swap3A_25] : memref<128x6144xf32, #tpu.memory_space<vmem>>, vector<128x6144xf32>
    tpu.vector_store %arg4[%swap3A_24, %swap3A_25], %add3A_23 {strides = array<i32>} : memref<128x6144xf32, #tpu.memory_space<vmem>>, vector<128x6144xf32>,
    return
  }
  func.func @transform_0(%arg0: i32) -> (i32, i32) {
    %c0_i32 = arith.constant 0 : i32
    %c0_i32_0 = arith.constant 0 : i32
    return %arg0, %c0_i32 : i32, i32
  }
  func.func @transform_1(%arg0: i32) -> (i32, i32) {
    %c0_i32 = arith.constant 0 : i32
    %c0_i32_0 = arith.constant 0 : i32
    return %arg0, %c0_i32 : i32, i32
  }
  func.func @transform_2(%arg0: i32) -> (i32, i32) {
    %c0_i32 = arith.constant 0 : i32
    %c0_i32_0 = arith.constant 0 : i32
    return %arg0, %c0_i32 : i32, i32
  }
  func.func @transform_3(%arg0: i32) -> (i32, i32) {
    %c0_i32 = arith.constant 0 : i32
    %c0_i32_0 = arith.constant 0 : i32
    return %arg0, %c0_i32 : i32, i32
  }
}

module attributes {stable_mosaic.version = 14 : i64} {
  func.func @_k3c_body(%arg0: memref<2048x8xf32, #tpu.memory_space<vmem>>, %arg1: memref<1x1xf32, #tpu.memory_space<vmem>>) attributes {dimension_semantics = [], scalar_prefetch = 0 : i64, scratch_operands = 0 : i64, tpu.core_type = #tpu.core_type<tc>} {
    %get3A = arith.constant 0 : index
    %get3A_0 = arith.constant 0 : index
    %get3A_1 = vector.load %arg0[%get3A, %get3A_0] : memref<2048x8xf32, #tpu.memory_space<vmem>>, vector<2048x8xf32>
    %reduce_sum3A = arith.constant dense<0.000000e+00> : vector<8xf32>
    %reduce_sum3A_2 = vector.multi_reduction <add>, %get3A_1, %reduce_sum3A [0] : vector<2048x8xf32> to vector<8xf32>
    %broadcast_in_dim3A = vector.shape_cast %reduce_sum3A_2 : vector<8xf32> to vector<1x8xf32>
    %div3A = arith.constant 2.048000e+03 : f32
    %div3A_3 = vector.broadcast %div3A : f32 to vector<1x8xf32>
    %div3A_4 = arith.divf %broadcast_in_dim3A, %div3A_3 : vector<1x8xf32>
    %mul3A = arith.constant 8.000000e+00 : f32
    %mul3A_5 = vector.broadcast %mul3A : f32 to vector<1x8xf32>
    %mul3A_6 = arith.mulf %div3A_4, %mul3A_5 : vector<1x8xf32>
    %add3A = arith.constant 9.99999971E-10 : f32
    %add3A_7 = vector.broadcast %add3A : f32 to vector<1x8xf32>
    %add3A_8 = arith.addf %mul3A_6, %add3A_7 : vector<1x8xf32>
    %log3A = math.log %add3A_8 : vector<1x8xf32>
    %mul3A_9 = arith.mulf %div3A_4, %log3A : vector<1x8xf32>
    %reduce_sum3A_10 = arith.constant dense<0.000000e+00> : vector<1xf32>
    %reduce_sum3A_11 = vector.multi_reduction <add>, %mul3A_9, %reduce_sum3A_10 [1] : vector<1x8xf32> to vector<1xf32>
    %broadcast_in_dim3A_12 = vector.shape_cast %reduce_sum3A_11 : vector<1xf32> to vector<1x1xf32>
    %swap3A = arith.constant 0 : index
    %swap3A_13 = arith.constant 0 : index
    %swap3A_14 = vector.load %arg1[%swap3A, %swap3A_13] : memref<1x1xf32, #tpu.memory_space<vmem>>, vector<1x1xf32>
    tpu.vector_store %arg1[%swap3A, %swap3A_13], %broadcast_in_dim3A_12 {strides = array<i32>} : memref<1x1xf32, #tpu.memory_space<vmem>>, vector<1x1xf32>,
    return
  }
}

</mosaic_0001>

<sc_bundles>
// kernel: sparse-core-data-format-call.1.cloned.1.call-start
scs
called_computation.1_lowered:
.L_overlay_start_0:
0x0: {  	s2 =	sld [smem:$0x3FD9]  }
0x1: {  	s3 =	sld [smem:$0x3FFE];
	_ =	sdelay $0x1  }
0x2: {  	s1 =	srdreg.scid  }
0x3: {  	s0 =	sand.u32 $0x1, s1  }
0x4: {  	s16 =	sshll.u32 s0, $0xA;
	s2 =	sadd.s32 s3, s2  }
0x5: {  	s2 =	sadd.s32 s2, s16  }
0x6: {  	[smem:$0x3FB6] =	sst s2  }
0x7: {  	_ = 	snop  }
0x8: {  	s2 =	sld [smem:$0x3FD0];
	_ =	sdelay $0x2  }
0x9: {  	s17 =	simm.s32 $0xB;
	s4 =	simm.s32 $0x10  }
0xa: {  	[smem:s4], [sflag:s17] =	dma.local [hbm:s2], $0x1  }
0xb: {  	_ =	swait.eq [sflag:s17], $0x1  }
0xc: {  	[sflag:s17] =	ssyncset.done $0x0  }
0xd: {  	[sflag:s17] =	ssyncadd.s32 $0xFFFFFFFF  }
0xe: {  	s18 =	sld [smem:$0x10];
	(tm) =	ssettm $0x1  }
0xf: {  	s19 =	sld [smem:$0x3FFB];
	_ =	sdelay $0x3  }
0x10: {  	_ =	strace s19  }
0x11: {  	s2 =	sld [smem:$0x3FFC];
	_ =	sdelay $0x3  }
0x12: {  	_ =	strace s2  }
0x13: {  	s2 =	sld [smem:$0x3FFD];
	_ =	sdelay $0x3  }
0x14: {  	_ =	strace s2  }
0x15: {  	_ =	strace $0x8FFFFFFF  }
0x16: {  	s20 =	sld [smem:$0x3FDB];
	_ =	sdelay $0x1  }
0x17: {  	s21 =	simm.s32 $_scs_section_size  }
0x18: {  	s5 =	simm.s32 $_size__tile_overlayer_lowered;
	s6 =	simm.s32 $_tile_overlayer_lowered  }
0x19: {  	s7 =	simm.s32 $0x1BFF;
	s22 =	sshll.u32 s6, $0x1;
	s4 =	sadd.s32 s21, s20  }
0x1a: {  	s23 =	simm.s32 $0x0;
	s5 =	sshll.u32 s5, $0x1;
	s6 =	sadd.s32 s22, s4  }
0x1b: {  	[timem:s23], [sflag:s7] =	dma.local [hbm:s6], s5  }
0x1c: {  	_ =	swait.ge [sflag:s7], s5  }
0x1d: {  	s5 =	ssub.s32 $0x0, s5;
	[sflag:s7] =	ssyncset.done $0x0  }
0x1e: {  	[sflag:s7] =	ssyncadd.s32 s5;
	_ =	sdelay $0x1  }
0x1f: {  	s24 =	simm.s32 $0x1B8B  }
0x20: {  	_ =	swait.ge [sflag:s24], $0x1  }
0x21: {  	[sflag:s24] =	ssyncset.done $0x0  }
0x22: {  	[sflag:s24] =	ssyncadd.s32 $0xFFFFFFFF  }
0x23: {  	s5 =	sld [smem:$0x0]  }
0x24: {  	s6 =	sand.u32 $0xFFFFFFFE, s1  }
0x25: {  	p0 =	sne.s32 s1, s6  }
0x26: {  	s6 =	sshll.u32 @p0 s6, $0xE  }
0x27: {  	s6 =	sadd.s32 @p0 $0x11B8D, s6;
	s7 =	sshll.u32 @p0 s5, $0x11  }
0x28: {  	s6 =	sor.u32 @p0 s7, s6  }
0x29: {  	[sflag:s6] =	ssyncadd.remote.s32 @p0 $0x1;
	_ =	sdelay $0x1  }
0x2a: {  	s6 =	simm.s32 @p0 $0x1B8D  }
0x2b: {  	_ =	swait.eq @p0 [sflag:s6], $0x1  }
0x2c: {  	[sflag:s6] =	ssyncadd.s32 @p0 $0xFFFFFFFF  }
0x2d: {  	s7 =	sshll.u32 @!p0 s1, $0xE  }
0x2e: {  	s7 =	sor.u32 @!p0 $0x4000, s7;
	s6 =	simm.s32 @!p0 $0x1B8D  }
0x2f: {  	s5 =	sshll.u32 @!p0 s5, $0x11;
	s7 =	sadd.s32 @!p0 $0x11B8D, s7;
	_ =	swait.eq @!p0 [sflag:s6], $0x1  }
0x30: {  	s5 =	sor.u32 @!p0 s5, s7;
	[sflag:s6] =	ssyncadd.s32 @!p0 $0xFFFFFFFF  }
0x31: {  	s26 =	simm.s32 $0x1B8E;
	s25 =	sld [smem:$0x3FFE];
	[sflag:s5] =	ssyncadd.remote.s32 @!p0 $0x1  }
0x32: {  	s27 =	simm.s32 $execute0_lowered;
	[smem:$0x3FD2] =	sst s26  }
0x33: {  	s6 =	sshll.u32 s27, $0x1;
	_ =	strace $0x80000049;
	[dreg:$0x1] =	wrdreg $0xFFFFFFFF  }
0x34: {  	s28 =	simm.s32 $_size_execute0_lowered;
	s4 =	sadd.s32 s4, s6;
	[dreg:$0x0] =	wrdreg $0x0  }
0x35: {  	s6 =	sshll.u32 s28, $0x1;
	[dreg:$0x2] =	wrdreg s4  }
0x36: {  	[dreg:$0x3] =	wrdreg s6  }
0x37: {  	[dreg:$0x4] =	wrdreg $0xC0  }
0x38: {  	_ =	task [dreg:s23], $0x5FFFF  }
0x39: {  	[dreg:$0x1] =	wrdreg $0xFFFFFFFF  }
0x3a: {  	[dreg:$0x0] =	wrdreg $0x60  }
0x3b: {  	[dreg:$0x2] =	wrdreg s25  }
0x3c: {  	[dreg:$0x3] =	wrdreg s18  }
0x3d: {  	[dreg:$0x4] =	wrdreg $0xA  }
0x3e: {  	_ =	task.clear_ibuf [dreg:s23], $0x5FFFF;
	_ =	strace $0x90000049  }
0x3f: {  	s29 =	simm.s32 $0xA;
	_ =	strace $0x8000004B  }
0x40: {  	_ =	swait.ge [sflag:s29], $0x1  }
0x41: {  	[sflag:s29] =	ssyncadd.s32 $0xFFFFFFFF  }
0x42: {  	_ =	strace $0x9000004B  }
0x43: {  	_ =	sfence  }
0x44: {  	s30 =	sld [smem:$0x0];
	_ =	sdelay $0x2  }
0x45: {  	s31 =	sshll.u32 s1, $0xD;
	s1 =	sshrl.u32 s1, $0x2  }
0x46: {  	s4 =	sand.u32 $0x4000, s31;
	s1 =	sadd.s32 s1, s30  }
0x47: {  	s0 =	sor.u32 s4, s0;
	s1 =	sshll.u32 s1, $0x11  }
0x48: {  	s0 =	sor.u32 s1, s0  }
0x49: {  	s0 =	sadd.s32 $0x8F2B, s0  }
0x4a: {  	[sflag:s0] =	ssyncadd.remote.s32 $0x1  }
0x4b: {  	_ =	sfence.sel $0xFFFF  }
0x4c: {  	[dreg:$0x0] =	wrdreg $0xFFFFFFFF;
	(pc) =	sbr.abs _section_cstart, $3  }
0x4d: {  	[dreg:$0x1] =	wrdreg $0xFFFFFFFF  }
0x4e: {  	_ =	task.clear_ibuf [dreg:s23], $0x2FFFF;
	_ =	strace $0x9FFFFFFF  }
0x4f: {  	(tm) =	ssettm $0x7FFFFFFF  }
tec
execute0_lowered:
.L_overlay_start_1:
0x0: {  	(tag) =	ssettag $0x1  }
0x1: {  	s1 =	rddreg [dreg:$0x0]  }
0x2: {  	s2 =	rddreg [dreg:$0x1]  }
0x3: {  	s0 =	rddreg [dreg:$0x2];
	_ =	strace $0x8000004A;
	s4 =	srdreg.scid  }
0x4: {  	s6 =	simm.s32 $0x2;
	s13 =	simm.s32 $0x0;
	p0 =	por $0x0, $0x0  }
0x5: {  	s12 =	simm.s32 $0x0;
	s15 =	simm.s32 $0x0;
	s14 =	simm.s32 $0x0  }
.Ltmp0:
0x6: {  	s8 =	simm.s32 $0x0;
	s9 =	simm.s32 $0x0;
	(pc) =	sbr.rel .LBB1_1-.Ltmp0, $4  }
0x7: {  	s10 =	simm.s32 $0x0;
	s3 =	sadd.s32 $0x18BC00, s1;
	s5 =	sshll.u32 s4, $0x4  }
0x8: {  	s1 =	stileid.u32;
	s4 =	simm.s32 $0x1;
	s5 =	sand.u32 $0x10, s5  }
0x9: {  	s7 =	simm.s32 $0x0;
	[sflag:s4] =	ssyncpa.u1 $0x0;
	s5 =	sor.u32 s1, s5  }
0xa: {  	[sflag:s6] =	ssyncpa.u1 $0x0;
	s6 =	simm.s32 $0x1800;
	s11 =	smov.u32 s5  }
.LBB1_7:
0xb: {  	s16 =	sadd.s32 $0x100, s8  }
0xc: {  	s12 =	sadd.s32 $0x8, s9;
	s17 =	smov.u32 s9;
	p2 =	sgt.s32 s16, $0x2FF  }
0xd: {  	s17 =	smov.u32 @p2 s12  }
0xe: {  	s18 =	smov.u32 s10;
	s12 =	sadd.s32 $0x8, s10;
	p3 =	sgt.s32 s17, $0x7  }
0xf: {  	s18 =	smov.u32 @p3 s12  }
0x10: {  	s19 =	smov.u32 s11;
	s12 =	sadd.s32 $0x20, s11;
	p4 =	sgt.s32 s18, $0x7  }
0x11: {  	p1 =	slt.u32 s7, $0x2;
	s19 =	smov.u32 @p4 s12  }
0x12: {  	s7 =	sadd.s32 $0x1, s7;
	s16 =	simm.s32 @p2 $0x0;
	p2 =	sgt.s32 s19, $0xFF  }
0x13: {  	s13 =	smov.u32 s8;
	s19 =	smov.u32 @p2 s5;
	p2 =	sne.s32 s7, $0x1A  }
.Ltmp1:
0x14: {  	s15 =	smov.u32 s10;
	s20 =	simm.s32 @!p1 $0x2;
	(pc) =	sbr.rel @!p2 .LBB1_8-.Ltmp1, $4  }
0x15: {  	s14 =	smov.u32 s11;
	p0 =	por !p0, !p0;
	_ =	swait.ge @!p1 [sflag:s20], $0x4000  }
0x16: {  	[sflag:s20] =	ssyncset.done @!p1 $0x0;
	s8 =	smov.u32 s16;
	s17 =	simm.s32 @p3 $0x0  }
0x17: {  	[sflag:s20] =	ssyncadd.s32 @!p1 $0xFFFFC000;
	s18 =	simm.s32 @p4 $0x0;
	s12 =	smov.u32 s9  }
0x18: {  	s9 =	smov.u32 s17;
	s10 =	smov.u32 s18;
	s11 =	smov.u32 s19  }
.LBB1_1:
0x19: {  	p1 =	sgt.u32 s7, $0x17  }
0x1a: {  	s16 =	sshrl.u32 @!p1 s9, $0x3  }
0x1b: {  	s17 =	sshll.u32 @!p1 s8, $0x3;
	s16 =	smul.u32 @!p1 $0x1800, s16  }
0x1c: {  	s18 =	sshll.u32 @!p1 s9, $0x7;
	s17 =	sand.u32 @!p1 $0xFFFFFC00, s17  }
0x1d: {  	s16 =	sadd.s32 @!p1 s16, s17;
	s17 =	sand.u32 @!p1 $0x380, s18  }
0x1e: {  	s18 =	sand.u32 @!p1 $0x7F, s8;
	s16 =	sor.u32 @!p1 s17, s16  }
0x1f: {  	s17 =	sor.u32 @!p1 s18, s16  }
0x20: {  	s18 =	smulhi.u32 @!p1 $0xAAAAAAAB, s17  }
0x21: {  	s16 =	smulhi.u32 @!p1 $0xAAAAAAAB, s16  }
0x22: {  	s20 =	smul.u32 @!p1 $0x1800, s11;
	s18 =	sshrl.u32 @!p1 s18, $0x9  }
0x23: {  	s19 =	sxor.u32 @!p1 $0xFFFFFFFF, s7;
	s16 =	sshrl.u32 @!p1 s16, $0x9;
	s18 =	smul.u32 @!p1 $0x300, s18  }
0x24: {  	s21 =	smul.u32 @!p1 $0x300, s10;
	s19 =	sshll.u32 @!p1 s19, $0xE;
	s16 =	sand.u32 @!p1 $0x7, s16  }
0x25: {  	s16 =	smul.u32 @!p1 $0x60, s16;
	s17 =	ssub.s32 @!p1 s17, s18;
	s18 =	sadd.s32 @!p1 s3, s20  }
0x26: {  	s19 =	sand.u32 @!p1 $0x4000, s19;
	s18 =	sadd.s32 @!p1 s21, s18;
	s20 =	sand.u32 @!p1 $0x7, s17  }
0x27: {  	s17 =	sshrl.u32 @!p1 s17, $0x3;
	s16 =	sadd.s32 @!p1 s16, s18;
	s18 =	sshll.u32 @!p1 s20, $0x12  }
0x28: {  	s16 =	sadd.s32 @!p1 s17, s16;
	s17 =	sor.u32 @!p1 $0x800, s18;
	s18 =	simm.s32 @!p1 $0x1800  }
0x29: {  	[tilespmem:s19], [sflag:$0x1] =	stream.strided.gather @!p1 [hbm4b:s16+s17], $0x4000, s18, s17, $0x38;
	[tilespmem:$0x10000] =	vst v63  }
0x2a: {  	p1 =	seq.s32 s7, $0x0  }
0x2b: {  	p2 =	seq.s32 @!p1 s7, $0x19  }
0x2c: {  	p1 =	por p1, p2  }
.Ltmp2:
0x2d: {  	_ = 	snop;
	(pc) =	sbr.rel @p1 .LBB1_7-.Ltmp2, $1  }
0x2e: {  	_ =	sdelay $0x3  }
0x2f: {  	s16 =	simm.s32 $0x1;
	_ =	swait.ge [sflag:s4], $0x4000  }
0x30: {  	s31 =	sshll.u32 s7, $0xE;
	s21 =	simm.s32 $0x0;
	p1 =	por $0x0, $0x0  }
0x31: {  	s22 =	simm.s32 $0x0;
	s23 =	simm.s32 $0x0;
	s16 =	simm.s32 @!p0 $0x0  }
0x32: {  	[sflag:s4] =	ssyncset.done $0x0;
	s19 =	sand.u32 $0x4000, s31;
	s16 =	sshll.u32 s16, $0x10  }
0x33: {  	[sflag:s4] =	ssyncadd.s32 $0xFFFFC000;
	s20 =	sshrl.u32 s16, $0x2;
	s16 =	sor.u32 $0x8000, s19  }
0x34: {  	s17 =	sor.u32 $0x40, s20;
	s18 =	sor.u32 $0x8410, s20;
	s20 =	sadd.s32 $0x8400, s20  }
.LBB1_3:
0x35: {  	v1 =	vld [tilespmem:s17+$0xFFFFFFD0]  }
0x36: {  	v2 =	vld [tilespmem:s17+$0x430]  }
0x37: {  	s24 =	sshll.u32 s23, $0xB;
	v4 =	vld [tilespmem:s17+$0xFFFFFFE0]  }
0x38: {  	v7 =	vld [tilespmem:s17+$0xFFFFFFF0];
	v0 =	vmov s24  }
0x39: {  	v8 =	vld [tilespmem:s17+$0x0]  }
0x3a: {  	s30 =	sand.u32 $0x300, s21;
	v9 =	vld [tilespmem:s17+$0x10]  }
0x3b: {  	s25 =	sand.u32 $0x80, s21;
	v10 =	vld [tilespmem:s17+$0x20];
	s24 =	sadd.s32 s30, s19  }
0x3c: {  	v11 =	vld [tilespmem:s17+$0x30];
	s24 =	sadd.s32 s25, s24;
	s25 =	simm.s32 $0x1;
	[tilespmem:s18+$0x60] =	vst v2  }
0x3d: {  	s31 =	sshll.u32 s22, $0x2;
	s25 =	simm.s32 @!p1 $0x0;
	[tilespmem:s18+$0xFFFFFC00] =	vst v1;
	v3 =	vld.idx.msk [tilespmem:v0+s24+$0x400 ss:$0x1], $0xffff  }
0x3e: {  	v6 =	vld [tilespmem:s17+$0x3D0];
	s25 =	sshll.u32 s25, $0x9;
	[tilespmem:s18+$0xFFFFFC10] =	vst v4;
	s24 =	sand.u32 $0xFFFFFC00, s31  }
0x3f: {  	v5 =	vld [tilespmem:s17+$0x3E0];
	[tilespmem:s18+$0xFFFFFC20] =	vst v7;
	s24 =	sor.u32 s25, s24  }
0x40: {  	[tilespmem:s18+$0xFFFFFC30] =	vst v8;
	v4 =	vld [tilespmem:s17+$0x400];
	s24 =	sshrl.u32 s24, $0x2  }
0x41: {  	[tilespmem:s18+$0xFFFFFC40] =	vst v9;
	v1 =	vld [tilespmem:s17+$0x410];
	s24 =	sadd.s32 s24, s20  }
0x42: {  	[tilespmem:s24+$0x0] =	vst v3;
	v3 =	vld [tilespmem:s17+$0x3F0]  }
0x43: {  	s28 =	simm.s32 $0x80;
	s27 =	simm.s32 $0x100;
	[tilespmem:s18+$0xFFFFFC50] =	vst v10;
	v2 =	vld [tilespmem:s17+$0x420]  }
0x44: {  	s26 =	smov.u32 s18;
	s29 =	sand.u32 $0x300, s28;
	v7 =	vld [tilespmem:s17+$0xFFFFFFC0];
	[tilespmem:s18+$0xFFFFFC60] =	vst v11;
	s25 =	sadd.s32 $0x80, s17  }
.LBB1_4:
0x45: {  	p2 =	sne.s32 s27, $0x380;
	v8 =	vld [tilespmem:s25+$0xFFFFFFD0];
	s28 =	sand.u32 $0x80, s28;
	s29 =	sadd.s32 s29, s19;
	[tilespmem:s26+$0x0] =	vst v6  }
0x46: {  	s29 =	sadd.s32 s28, s29;
	v6 =	vld [tilespmem:s25+$0x430];
	[tilespmem:s26+$0x10] =	vst v5;
	s28 =	smov.u32 s27  }
0x47: {  	v5 =	vld.idx.msk [tilespmem:v0+s29+$0x400 ss:$0x1], $0xffff;
	[tilespmem:s26+$0x20] =	vst v3  }
0x48: {  	v3 =	vld [tilespmem:s25+$0xFFFFFFE0];
	[tilespmem:s26+$0x30] =	vst v4  }
0x49: {  	v4 =	vld [tilespmem:s25+$0xFFFFFFF0];
	[tilespmem:s26+$0xFFFFFBF0] =	vst v7  }
0x4a: {  	v7 =	vld [tilespmem:s25+$0x0];
	[tilespmem:s26+$0x40] =	vst v1  }
0x4b: {  	v1 =	vld [tilespmem:s25+$0x10];
	[tilespmem:s26+$0x50] =	vst v2;
	s26 =	sadd.s32 $0x800, s26  }
0x4c: {  	s24 =	sadd.s32 $0x800, s24;
	v2 =	vld [tilespmem:s25+$0x20];
	[tilespmem:s26+$0x60] =	vst v6  }
0x4d: {  	v9 =	vld [tilespmem:s25+$0x30];
	[tilespmem:s24+$0x0] =	vst v5  }
0x4e: {  	[tilespmem:s26+$0xFFFFFC00] =	vst v8;
	v6 =	vld [tilespmem:s25+$0x3D0]  }
0x4f: {  	[tilespmem:s26+$0xFFFFFC10] =	vst v3;
	v5 =	vld [tilespmem:s25+$0x3E0]  }
.Ltmp3:
0x50: {  	[tilespmem:s26+$0xFFFFFC20] =	vst v4;
	v3 =	vld [tilespmem:s25+$0x3F0];
	(pc) =	sbr.rel @p2 .LBB1_4-.Ltmp3, $4  }
0x51: {  	[tilespmem:s26+$0xFFFFFC30] =	vst v7;
	v4 =	vld [tilespmem:s25+$0x400]  }
0x52: {  	[tilespmem:s26+$0xFFFFFC40] =	vst v1;
	v1 =	vld [tilespmem:s25+$0x410]  }
0x53: {  	[tilespmem:s26+$0xFFFFFC50] =	vst v2;
	v2 =	vld [tilespmem:s25+$0x420]  }
0x54: {  	s27 =	sadd.s32 $0x80, s27;
	s29 =	sand.u32 $0x300, s28;
	v7 =	vld [tilespmem:s25+$0xFFFFFFC0];
	[tilespmem:s26+$0xFFFFFC60] =	vst v9;
	s25 =	sadd.s32 $0x80, s25  }
0x55: {  	[tilespmem:s26+$0x0] =	vst v6  }
0x56: {  	[tilespmem:s26+$0x10] =	vst v5  }
0x57: {  	v49 =	vld [tilespmem:s25+$0x430];
	[tilespmem:s26+$0x20] =	vst v3  }
0x58: {  	v50 =	vld [tilespmem:s25+$0xFFFFFFD0];
	[tilespmem:s26+$0x30] =	vst v4  }
0x59: {  	v51 =	vld [tilespmem:s25+$0xFFFFFFE0];
	[tilespmem:s26+$0x40] =	vst v1  }
0x5a: {  	v52 =	vld [tilespmem:s25+$0xFFFFFFF0];
	[tilespmem:s26+$0x50] =	vst v2  }
0x5b: {  	s31 =	sadd.s32 $0x800, s26;
	v53 =	vld [tilespmem:s25+$0x0];
	[tilespmem:s26+$0xFFFFFBF0] =	vst v7  }
0x5c: {  	v54 =	vld [tilespmem:s25+$0x10];
	[tilespmem:s31+$0x60] =	vst v49  }
0x5d: {  	v55 =	vld [tilespmem:s25+$0x20];
	[tilespmem:s31+$0xFFFFFC00] =	vst v50  }
0x5e: {  	v56 =	vld [tilespmem:s25+$0x30];
	[tilespmem:s31+$0xFFFFFC10] =	vst v51  }
0x5f: {  	v57 =	vld [tilespmem:s25+$0x3D0];
	[tilespmem:s31+$0xFFFFFC20] =	vst v52  }
0x60: {  	v58 =	vld [tilespmem:s25+$0x3E0];
	[tilespmem:s31+$0xFFFFFC30] =	vst v53  }
0x61: {  	v59 =	vld [tilespmem:s25+$0x3F0];
	[tilespmem:s31+$0xFFFFFC40] =	vst v54  }
0x62: {  	v60 =	vld [tilespmem:s25+$0x400];
	[tilespmem:s31+$0xFFFFFC50] =	vst v55  }
0x63: {  	v61 =	vld [tilespmem:s25+$0xFFFFFFC0];
	[tilespmem:s31+$0xFFFFFC60] =	vst v56  }
0x64: {  	s27 =	sand.u32 $0x80, s28;
	s30 =	sadd.s32 s29, s19;
	v62 =	vld [tilespmem:s25+$0x410];
	[tilespmem:s31+$0x0] =	vst v57  }
0x65: {  	v63 =	vld [tilespmem:s25+$0x420];
	s23 =	sadd.s32 $0x1, s23;
	s27 =	sadd.s32 s27, s30;
	[tilespmem:s31+$0x10] =	vst v58  }
0x66: {  	p2 =	sne.s32 s23, $0x8;
	v0 =	vld.idx.msk [tilespmem:v0+s27+$0x400 ss:$0x1], $0xffff;
	[tilespmem:s31+$0x20] =	vst v59  }
.Ltmp4:
0x67: {  	[tilespmem:s31+$0x30] =	vst v60;
	(pc) =	sbr.rel @p2 .LBB1_3-.Ltmp4, $4  }
0x68: {  	[tilespmem:s31+$0xFFFFFBF0] =	vst v61  }
0x69: {  	[tilespmem:s31+$0x40] =	vst v62  }
0x6a: {  	s24 =	sadd.s32 $0x800, s24;
	s17 =	sadd.s32 $0x800, s17;
	[tilespmem:s31+$0x50] =	vst v63  }
0x6b: {  	s22 =	sadd.s32 $0x80, s22;
	p1 =	por !p1, !p1;
	s18 =	sadd.s32 $0x80, s18;
	[tilespmem:s24+$0x0] =	vst v0  }
0x6c: {  	s17 =	sshrl.u32 s15, $0x3  }
0x6d: {  	s18 =	sshll.u32 s13, $0x3;
	s17 =	smul.u32 $0x1800, s17  }
0x6e: {  	s27 =	sshll.u32 s15, $0x7;
	s18 =	sand.u32 $0xFFFFFC00, s18  }
0x6f: {  	s15 =	sand.u32 $0x380, s27;
	s17 =	sadd.s32 s17, s18  }
0x70: {  	s28 =	sand.u32 $0x7F, s13;
	s15 =	sor.u32 s15, s17  }
0x71: {  	s13 =	sor.u32 s28, s15;
	s15 =	smulhi.u32 $0xAAAAAAAB, s15  }
0x72: {  	s29 =	smulhi.u32 $0xAAAAAAAB, s13  }
0x73: {  	s14 =	smul.u32 $0x1800, s14  }
0x74: {  	s12 =	smul.u32 $0x300, s12;
	s15 =	sshrl.u32 s15, $0x9;
	s17 =	sshrl.u32 s29, $0x9  }
0x75: {  	s15 =	sand.u32 $0x7, s15;
	s17 =	smul.u32 $0x300, s17  }
0x76: {  	s15 =	smul.u32 $0x60, s15  }
.Ltmp5:
0x77: {  	s14 =	sadd.s32 s2, s14;
	s13 =	ssub.s32 s13, s17;
	(pc) =	sbr.rel .LBB1_7-.Ltmp5, $4  }
0x78: {  	s12 =	sadd.s32 s12, s14;
	s30 =	sand.u32 $0x7, s13  }
0x79: {  	s12 =	sadd.s32 s15, s12;
	s13 =	sshrl.u32 s13, $0x3;
	s14 =	sshll.u32 s30, $0x12  }
0x7a: {  	s12 =	sadd.s32 s13, s12;
	s31 =	sor.u32 $0x800, s14  }
0x7b: {  	[hbm4b:s12+s31] =	stream.strided.scatter [tilespmem:s16], [sflag:$0x2], $0x4000, s6, s31, $0x38;
	[tilespmem:$0x10000] =	vst v63  }
.LBB1_8:
0x7c: {  	_ =	sfence.sel $0x180000  }
0x7d: {  	s2 =	simm.s32 $0x1;
	[bflag:$0x0] =	sbarrier.arrive $0xFFFF  }
0x7e: {  	s31 =	simm.s32 $0x2;
	[sflag:s2] =	ssyncpa.u1 $0x1  }
0x7f: {  	[sflag:s31] =	ssyncpa.u1 $0x1  }
0x80: {  	p0 =	sne.s32 s1, $0x0;
	_ =	strace $0x9000004A  }
0x81: {  	s0 =	sadd.s32 @!p0 $0x100000, s0;
	[bflag:$0x2] =	sbarrier.arrive $0xFFFF  }
0x82: {  	[sflag:s0] =	ssyncadd.tile.s32 @!p0 $0x1;
	_ =	shalt  }
.Lfunc_end1:
_tile_overlayer_lowered:
.L_overlay_start_2:
0x83: {  	(tag) =	ssettag $0x2  }
0x84: {  	s0 =	rddreg [dreg:$0x0];
	s2 =	stileid.u32  }
0x85: {  	s1 =	rddreg [dreg:$0x1];
	p0 =	sne.s32 s2, $0x0  }
0x86: {  	s3 =	rddreg [dreg:$0x2];
	[bflag:$0x3] =	sbarrier.arrive $0xFFFF;
	s2 =	simm.s32 @!p0 $0x1C01  }
0x87: {  	[timem:s3], [sflag:s2] =	dma.local @!p0 [hbm:s0], s1  }
0x88: {  	s0 =	simm.s32 @!p0 $0x1  }
0x89: {  	_ =	swait.ge @!p0 [sflag:s0], s1  }
0x8a: {  	s1 =	ssub.s32 @!p0 $0x0, s1;
	[sflag:s0] =	ssyncset.done @!p0 $0x0  }
0x8b: {  	[sflag:s0] =	ssyncadd.s32 @!p0 s1  }
0x8c: {  	[bflag:$0x3] =	sbarrier.arrive $0xFFFF  }
0x8d: {  	_ =	shalt  }

// kernel: sparse-core-data-format-call.cloned.1.call-start
scs
called_computation_lowered:
.L_overlay_start_0:
0x0: {  	s2 =	sld [smem:$0x3FD9]  }
0x1: {  	s3 =	sld [smem:$0x3FFE];
	_ =	sdelay $0x1  }
0x2: {  	s1 =	srdreg.scid  }
0x3: {  	s0 =	sand.u32 $0x1, s1  }
0x4: {  	s15 =	sshll.u32 s0, $0xA;
	s2 =	sadd.s32 s3, s2  }
0x5: {  	s2 =	sadd.s32 s2, s15  }
0x6: {  	[smem:$0x3FB6] =	sst s2  }
0x7: {  	_ = 	snop  }
0x8: {  	s2 =	sld [smem:$0x3FD0];
	_ =	sdelay $0x2  }
0x9: {  	s16 =	simm.s32 $0xB;
	s4 =	simm.s32 $0x10  }
0xa: {  	[smem:s4], [sflag:s16] =	dma.local [hbm:s2], $0x1  }
0xb: {  	_ =	swait.eq [sflag:s16], $0x1  }
0xc: {  	[sflag:s16] =	ssyncset.done $0x0  }
0xd: {  	[sflag:s16] =	ssyncadd.s32 $0xFFFFFFFF  }
0xe: {  	s17 =	sld [smem:$0x11];
	(tm) =	ssettm $0x1  }
0xf: {  	s18 =	sld [smem:$0x3FFB];
	_ =	sdelay $0x3  }
0x10: {  	_ =	strace s18  }
0x11: {  	s3 =	sld [smem:$0x3FFC];
	_ =	sdelay $0x3  }
0x12: {  	_ =	strace s3  }
0x13: {  	s3 =	sld [smem:$0x3FFD];
	_ =	sdelay $0x3  }
0x14: {  	_ =	strace s3  }
0x15: {  	_ =	strace $0x8FFFFFFF  }
0x16: {  	s19 =	sld [smem:$0x3FDB];
	_ =	sdelay $0x1  }
0x17: {  	s20 =	simm.s32 $_scs_section_size  }
0x18: {  	s5 =	simm.s32 $_size__tile_overlayer_lowered;
	s6 =	simm.s32 $_tile_overlayer_lowered  }
0x19: {  	s23 =	simm.s32 $0x1BFF;
	s22 =	sshll.u32 s6, $0x1;
	s3 =	sadd.s32 s20, s19  }
0x1a: {  	s7 =	simm.s32 $0x0;
	s21 =	sshll.u32 s5, $0x1;
	s5 =	sadd.s32 s22, s3  }
0x1b: {  	[timem:s7], [sflag:s23] =	dma.local [hbm:s5], s21  }
0x1c: {  	_ =	swait.ge [sflag:s23], s21  }
0x1d: {  	s4 =	ssub.s32 $0x0, s21;
	[sflag:s23] =	ssyncset.done $0x0  }
0x1e: {  	[sflag:s23] =	ssyncadd.s32 s4;
	_ =	sdelay $0x1  }
0x1f: {  	s24 =	simm.s32 $0x1B8B  }
0x20: {  	_ =	swait.ge [sflag:s24], $0x1  }
0x21: {  	[sflag:s24] =	ssyncset.done $0x0  }
0x22: {  	s26 =	simm.s32 $0x1B8E;
	s25 =	sld [smem:$0x3FFE];
	[sflag:s24] =	ssyncadd.s32 $0xFFFFFFFF  }
0x23: {  	s27 =	simm.s32 $execute0_lowered;
	[smem:$0x3FD2] =	sst s26  }
0x24: {  	s5 =	sshll.u32 s27, $0x1;
	_ =	strace $0x80000046;
	[dreg:$0x1] =	wrdreg $0xFFFFFFFF  }
0x25: {  	s28 =	simm.s32 $_size_execute0_lowered;
	s3 =	sadd.s32 s3, s5;
	[dreg:$0x0] =	wrdreg $0x0  }
0x26: {  	s5 =	sshll.u32 s28, $0x1;
	[dreg:$0x2] =	wrdreg s3  }
0x27: {  	[dreg:$0x3] =	wrdreg s5  }
0x28: {  	[dreg:$0x4] =	wrdreg $0xC0  }
0x29: {  	_ =	task [dreg:s7], $0x5FFFF  }
0x2a: {  	[dreg:$0x1] =	wrdreg $0xFFFFFFFF  }
0x2b: {  	[dreg:$0x0] =	wrdreg $0x60  }
0x2c: {  	[dreg:$0x2] =	wrdreg s25  }
0x2d: {  	[dreg:$0x3] =	wrdreg s17  }
0x2e: {  	[dreg:$0x4] =	wrdreg $0x9  }
0x2f: {  	_ =	task.clear_ibuf [dreg:s7], $0x5FFFF;
	_ =	strace $0x90000046  }
0x30: {  	s29 =	simm.s32 $0x9;
	_ =	strace $0x80000048  }
0x31: {  	_ =	swait.ge [sflag:s29], $0x1  }
0x32: {  	[sflag:s29] =	ssyncadd.s32 $0xFFFFFFFF  }
0x33: {  	_ =	strace $0x90000048  }
0x34: {  	_ =	sfence  }
0x35: {  	s30 =	sld [smem:$0x0];
	_ =	sdelay $0x2  }
0x36: {  	s31 =	sshll.u32 s1, $0xD;
	s1 =	sshrl.u32 s1, $0x2  }
0x37: {  	s3 =	sand.u32 $0x4000, s31;
	s1 =	sadd.s32 s1, s30  }
0x38: {  	s0 =	sor.u32 s3, s0;
	s1 =	sshll.u32 s1, $0x11  }
0x39: {  	s0 =	sor.u32 s1, s0  }
0x3a: {  	s0 =	sadd.s32 $0x8F2B, s0  }
0x3b: {  	[sflag:s0] =	ssyncadd.remote.s32 $0x1  }
0x3c: {  	_ =	sfence.sel $0xFFFF  }
0x3d: {  	[dreg:$0x0] =	wrdreg $0xFFFFFFFF;
	(pc) =	sbr.abs _section_cstart, $3  }
0x3e: {  	[dreg:$0x1] =	wrdreg $0xFFFFFFFF  }
0x3f: {  	_ =	task.clear_ibuf [dreg:s7], $0x2FFFF;
	_ =	strace $0x9FFFFFFF  }
0x40: {  	(tm) =	ssettm $0x7FFFFFFF  }
0x41: {  	_ =	shalt  }
tec
execute0_lowered:
.L_overlay_start_1:
0x0: {  	(tag) =	ssettag $0x1  }
0x1: {  	s1 =	rddreg [dreg:$0x0]  }
0x2: {  	s2 =	rddreg [dreg:$0x1]  }
0x3: {  	s0 =	rddreg [dreg:$0x2];
	_ =	strace $0x80000047;
	s4 =	srdreg.scid  }
0x4: {  	s6 =	simm.s32 $0x2;
	s13 =	simm.s32 $0x0;
	p0 =	por $0x0, $0x0  }
0x5: {  	s12 =	simm.s32 $0x0;
	s15 =	simm.s32 $0x0;
	s14 =	simm.s32 $0x0  }
.Ltmp0:
0x6: {  	s8 =	simm.s32 $0x0;
	s9 =	simm.s32 $0x0;
	(pc) =	sbr.rel .LBB1_1-.Ltmp0, $4  }
0x7: {  	s10 =	simm.s32 $0x0;
	s3 =	sadd.s32 $0xBC00, s1;
	s5 =	sshll.u32 s4, $0x4  }
0x8: {  	s1 =	stileid.u32;
	s4 =	simm.s32 $0x1;
	s5 =	sand.u32 $0x10, s5  }
0x9: {  	s7 =	simm.s32 $0x0;
	[sflag:s4] =	ssyncpa.u1 $0x0;
	s5 =	sor.u32 s1, s5  }
0xa: {  	[sflag:s6] =	ssyncpa.u1 $0x0;
	s6 =	simm.s32 $0x1800;
	s11 =	smov.u32 s5  }
.LBB1_7:
0xb: {  	s16 =	sadd.s32 $0x100, s8  }
0xc: {  	s12 =	sadd.s32 $0x8, s9;
	s17 =	smov.u32 s9;
	p2 =	sgt.s32 s16, $0x2FF  }
0xd: {  	s17 =	smov.u32 @p2 s12  }
0xe: {  	s18 =	smov.u32 s10;
	s12 =	sadd.s32 $0x8, s10;
	p3 =	sgt.s32 s17, $0x7  }
0xf: {  	s18 =	smov.u32 @p3 s12  }
0x10: {  	s19 =	smov.u32 s11;
	s12 =	sadd.s32 $0x20, s11;
	p4 =	sgt.s32 s18, $0x7  }
0x11: {  	p1 =	slt.u32 s7, $0x2;
	s19 =	smov.u32 @p4 s12  }
0x12: {  	s7 =	sadd.s32 $0x1, s7;
	s16 =	simm.s32 @p2 $0x0;
	p2 =	sgt.s32 s19, $0xFF  }
0x13: {  	s13 =	smov.u32 s8;
	s19 =	smov.u32 @p2 s5;
	p2 =	sne.s32 s7, $0x1A  }
.Ltmp1:
0x14: {  	s15 =	smov.u32 s10;
	s20 =	simm.s32 @!p1 $0x2;
	(pc) =	sbr.rel @!p2 .LBB1_8-.Ltmp1, $4  }
0x15: {  	s14 =	smov.u32 s11;
	p0 =	por !p0, !p0;
	_ =	swait.ge @!p1 [sflag:s20], $0x4000  }
0x16: {  	[sflag:s20] =	ssyncset.done @!p1 $0x0;
	s8 =	smov.u32 s16;
	s17 =	simm.s32 @p3 $0x0  }
0x17: {  	[sflag:s20] =	ssyncadd.s32 @!p1 $0xFFFFC000;
	s18 =	simm.s32 @p4 $0x0;
	s12 =	smov.u32 s9  }
0x18: {  	s9 =	smov.u32 s17;
	s10 =	smov.u32 s18;
	s11 =	smov.u32 s19  }
.LBB1_1:
0x19: {  	p1 =	sgt.u32 s7, $0x17  }
0x1a: {  	s16 =	sshrl.u32 @!p1 s9, $0x3  }
0x1b: {  	s17 =	sshll.u32 @!p1 s8, $0x3;
	s16 =	smul.u32 @!p1 $0x1800, s16  }
0x1c: {  	s18 =	sshll.u32 @!p1 s9, $0x7;
	s17 =	sand.u32 @!p1 $0xFFFFFC00, s17  }
0x1d: {  	s16 =	sadd.s32 @!p1 s16, s17;
	s17 =	sand.u32 @!p1 $0x380, s18  }
0x1e: {  	s18 =	sand.u32 @!p1 $0x7F, s8;
	s16 =	sor.u32 @!p1 s17, s16  }
0x1f: {  	s17 =	sor.u32 @!p1 s18, s16  }
0x20: {  	s18 =	smulhi.u32 @!p1 $0xAAAAAAAB, s17  }
0x21: {  	s16 =	smulhi.u32 @!p1 $0xAAAAAAAB, s16  }
0x22: {  	s20 =	smul.u32 @!p1 $0x1800, s11;
	s18 =	sshrl.u32 @!p1 s18, $0x9  }
0x23: {  	s19 =	sxor.u32 @!p1 $0xFFFFFFFF, s7;
	s16 =	sshrl.u32 @!p1 s16, $0x9;
	s18 =	smul.u32 @!p1 $0x300, s18  }
0x24: {  	s21 =	smul.u32 @!p1 $0x300, s10;
	s19 =	sshll.u32 @!p1 s19, $0xE;
	s16 =	sand.u32 @!p1 $0x7, s16  }
0x25: {  	s16 =	smul.u32 @!p1 $0x60, s16;
	s17 =	ssub.s32 @!p1 s17, s18;
	s18 =	sadd.s32 @!p1 s3, s20  }
0x26: {  	s19 =	sand.u32 @!p1 $0x4000, s19;
	s18 =	sadd.s32 @!p1 s21, s18;
	s20 =	sand.u32 @!p1 $0x7, s17  }
0x27: {  	s17 =	sshrl.u32 @!p1 s17, $0x3;
	s16 =	sadd.s32 @!p1 s16, s18;
	s18 =	sshll.u32 @!p1 s20, $0x12  }
0x28: {  	s16 =	sadd.s32 @!p1 s17, s16;
	s17 =	sor.u32 @!p1 $0x800, s18;
	s18 =	simm.s32 @!p1 $0x1800  }
0x29: {  	[tilespmem:s19], [sflag:$0x1] =	stream.strided.gather @!p1 [hbm4b:s16+s17], $0x4000, s18, s17, $0x38;
	[tilespmem:$0x10000] =	vst v63  }
0x2a: {  	p1 =	seq.s32 s7, $0x0  }
0x2b: {  	p2 =	seq.s32 @!p1 s7, $0x19  }
0x2c: {  	p1 =	por p1, p2  }
.Ltmp2:
0x2d: {  	_ = 	snop;
	(pc) =	sbr.rel @p1 .LBB1_7-.Ltmp2, $1  }
0x2e: {  	_ =	sdelay $0x3  }
0x2f: {  	s16 =	simm.s32 $0x1;
	_ =	swait.ge [sflag:s4], $0x4000  }
0x30: {  	s31 =	sshll.u32 s7, $0xE;
	s21 =	simm.s32 $0x0;
	p1 =	por $0x0, $0x0  }
0x31: {  	s22 =	simm.s32 $0x0;
	s23 =	simm.s32 $0x0;
	s16 =	simm.s32 @!p0 $0x0  }
0x32: {  	[sflag:s4] =	ssyncset.done $0x0;
	s19 =	sand.u32 $0x4000, s31;
	s16 =	sshll.u32 s16, $0x10  }
0x33: {  	[sflag:s4] =	ssyncadd.s32 $0xFFFFC000;
	s20 =	sshrl.u32 s16, $0x2;
	s16 =	sor.u32 $0x8000, s19  }
0x34: {  	s17 =	sor.u32 $0x40, s20;
	s18 =	sor.u32 $0x8410, s20;
	s20 =	sadd.s32 $0x8400, s20  }
.LBB1_3:
0x35: {  	v1 =	vld [tilespmem:s17+$0xFFFFFFD0]  }
0x36: {  	v2 =	vld [tilespmem:s17+$0x430]  }
0x37: {  	s24 =	sshll.u32 s23, $0xB;
	v4 =	vld [tilespmem:s17+$0xFFFFFFE0]  }
0x38: {  	v7 =	vld [tilespmem:s17+$0xFFFFFFF0];
	v0 =	vmov s24  }
0x39: {  	v8 =	vld [tilespmem:s17+$0x0]  }
0x3a: {  	s30 =	sand.u32 $0x300, s21;
	v9 =	vld [tilespmem:s17+$0x10]  }
0x3b: {  	s25 =	sand.u32 $0x80, s21;
	v10 =	vld [tilespmem:s17+$0x20];
	s24 =	sadd.s32 s30, s19  }
0x3c: {  	v11 =	vld [tilespmem:s17+$0x30];
	s24 =	sadd.s32 s25, s24;
	s25 =	simm.s32 $0x1;
	[tilespmem:s18+$0x60] =	vst v2  }
0x3d: {  	s31 =	sshll.u32 s22, $0x2;
	s25 =	simm.s32 @!p1 $0x0;
	[tilespmem:s18+$0xFFFFFC00] =	vst v1;
	v3 =	vld.idx.msk [tilespmem:v0+s24+$0x400 ss:$0x1], $0xffff  }
0x3e: {  	v6 =	vld [tilespmem:s17+$0x3D0];
	s25 =	sshll.u32 s25, $0x9;
	[tilespmem:s18+$0xFFFFFC10] =	vst v4;
	s24 =	sand.u32 $0xFFFFFC00, s31  }
0x3f: {  	v5 =	vld [tilespmem:s17+$0x3E0];
	[tilespmem:s18+$0xFFFFFC20] =	vst v7;
	s24 =	sor.u32 s25, s24  }
0x40: {  	[tilespmem:s18+$0xFFFFFC30] =	vst v8;
	v4 =	vld [tilespmem:s17+$0x400];
	s24 =	sshrl.u32 s24, $0x2  }
0x41: {  	[tilespmem:s18+$0xFFFFFC40] =	vst v9;
	v1 =	vld [tilespmem:s17+$0x410];
	s24 =	sadd.s32 s24, s20  }
0x42: {  	[tilespmem:s24+$0x0] =	vst v3;
	v3 =	vld [tilespmem:s17+$0x3F0]  }
0x43: {  	s28 =	simm.s32 $0x80;
	s27 =	simm.s32 $0x100;
	[tilespmem:s18+$0xFFFFFC50] =	vst v10;
	v2 =	vld [tilespmem:s17+$0x420]  }
0x44: {  	s26 =	smov.u32 s18;
	s29 =	sand.u32 $0x300, s28;
	v7 =	vld [tilespmem:s17+$0xFFFFFFC0];
	[tilespmem:s18+$0xFFFFFC60] =	vst v11;
	s25 =	sadd.s32 $0x80, s17  }
.LBB1_4:
0x45: {  	p2 =	sne.s32 s27, $0x380;
	v8 =	vld [tilespmem:s25+$0xFFFFFFD0];
	s28 =	sand.u32 $0x80, s28;
	s29 =	sadd.s32 s29, s19;
	[tilespmem:s26+$0x0] =	vst v6  }
0x46: {  	s29 =	sadd.s32 s28, s29;
	v6 =	vld [tilespmem:s25+$0x430];
	[tilespmem:s26+$0x10] =	vst v5;
	s28 =	smov.u32 s27  }
0x47: {  	v5 =	vld.idx.msk [tilespmem:v0+s29+$0x400 ss:$0x1], $0xffff;
	[tilespmem:s26+$0x20] =	vst v3  }
0x48: {  	v3 =	vld [tilespmem:s25+$0xFFFFFFE0];
	[tilespmem:s26+$0x30] =	vst v4  }
0x49: {  	v4 =	vld [tilespmem:s25+$0xFFFFFFF0];
	[tilespmem:s26+$0xFFFFFBF0] =	vst v7  }
0x4a: {  	v7 =	vld [tilespmem:s25+$0x0];
	[tilespmem:s26+$0x40] =	vst v1  }
0x4b: {  	v1 =	vld [tilespmem:s25+$0x10];
	[tilespmem:s26+$0x50] =	vst v2;
	s26 =	sadd.s32 $0x800, s26  }
0x4c: {  	s24 =	sadd.s32 $0x800, s24;
	v2 =	vld [tilespmem:s25+$0x20];
	[tilespmem:s26+$0x60] =	vst v6  }
0x4d: {  	v9 =	vld [tilespmem:s25+$0x30];
	[tilespmem:s24+$0x0] =	vst v5  }
0x4e: {  	[tilespmem:s26+$0xFFFFFC00] =	vst v8;
	v6 =	vld [tilespmem:s25+$0x3D0]  }
0x4f: {  	[tilespmem:s26+$0xFFFFFC10] =	vst v3;
	v5 =	vld [tilespmem:s25+$0x3E0]  }
.Ltmp3:
0x50: {  	[tilespmem:s26+$0xFFFFFC20] =	vst v4;
	v3 =	vld [tilespmem:s25+$0x3F0];
	(pc) =	sbr.rel @p2 .LBB1_4-.Ltmp3, $4  }
0x51: {  	[tilespmem:s26+$0xFFFFFC30] =	vst v7;
	v4 =	vld [tilespmem:s25+$0x400]  }
0x52: {  	[tilespmem:s26+$0xFFFFFC40] =	vst v1;
	v1 =	vld [tilespmem:s25+$0x410]  }
0x53: {  	[tilespmem:s26+$0xFFFFFC50] =	vst v2;
	v2 =	vld [tilespmem:s25+$0x420]  }
0x54: {  	s27 =	sadd.s32 $0x80, s27;
	s29 =	sand.u32 $0x300, s28;
	v7 =	vld [tilespmem:s25+$0xFFFFFFC0];
	[tilespmem:s26+$0xFFFFFC60] =	vst v9;
	s25 =	sadd.s32 $0x80, s25  }
0x55: {  	[tilespmem:s26+$0x0] =	vst v6  }
0x56: {  	[tilespmem:s26+$0x10] =	vst v5  }
0x57: {  	v49 =	vld [tilespmem:s25+$0x430];
	[tilespmem:s26+$0x20] =	vst v3  }
0x58: {  	v50 =	vld [tilespmem:s25+$0xFFFFFFD0];
	[tilespmem:s26+$0x30] =	vst v4  }
0x59: {  	v51 =	vld [tilespmem:s25+$0xFFFFFFE0];
	[tilespmem:s26+$0x40] =	vst v1  }
0x5a: {  	v52 =	vld [tilespmem:s25+$0xFFFFFFF0];
	[tilespmem:s26+$0x50] =	vst v2  }
0x5b: {  	s31 =	sadd.s32 $0x800, s26;
	v53 =	vld [tilespmem:s25+$0x0];
	[tilespmem:s26+$0xFFFFFBF0] =	vst v7  }
0x5c: {  	v54 =	vld [tilespmem:s25+$0x10];
	[tilespmem:s31+$0x60] =	vst v49  }
0x5d: {  	v55 =	vld [tilespmem:s25+$0x20];
	[tilespmem:s31+$0xFFFFFC00] =	vst v50  }
0x5e: {  	v56 =	vld [tilespmem:s25+$0x30];
	[tilespmem:s31+$0xFFFFFC10] =	vst v51  }
0x5f: {  	v57 =	vld [tilespmem:s25+$0x3D0];
	[tilespmem:s31+$0xFFFFFC20] =	vst v52  }
0x60: {  	v58 =	vld [tilespmem:s25+$0x3E0];
	[tilespmem:s31+$0xFFFFFC30] =	vst v53  }
0x61: {  	v59 =	vld [tilespmem:s25+$0x3F0];
	[tilespmem:s31+$0xFFFFFC40] =	vst v54  }
0x62: {  	v60 =	vld [tilespmem:s25+$0x400];
	[tilespmem:s31+$0xFFFFFC50] =	vst v55  }
0x63: {  	v61 =	vld [tilespmem:s25+$0xFFFFFFC0];
	[tilespmem:s31+$0xFFFFFC60] =	vst v56  }
0x64: {  	s27 =	sand.u32 $0x80, s28;
	s30 =	sadd.s32 s29, s19;
	v62 =	vld [tilespmem:s25+$0x410];
	[tilespmem:s31+$0x0] =	vst v57  }
0x65: {  	v63 =	vld [tilespmem:s25+$0x420];
	s23 =	sadd.s32 $0x1, s23;
	s27 =	sadd.s32 s27, s30;
	[tilespmem:s31+$0x10] =	vst v58  }
0x66: {  	p2 =	sne.s32 s23, $0x8;
	v0 =	vld.idx.msk [tilespmem:v0+s27+$0x400 ss:$0x1], $0xffff;
	[tilespmem:s31+$0x20] =	vst v59  }
.Ltmp4:
0x67: {  	[tilespmem:s31+$0x30] =	vst v60;
	(pc) =	sbr.rel @p2 .LBB1_3-.Ltmp4, $4  }
0x68: {  	[tilespmem:s31+$0xFFFFFBF0] =	vst v61  }
0x69: {  	[tilespmem:s31+$0x40] =	vst v62  }
0x6a: {  	s24 =	sadd.s32 $0x800, s24;
	s17 =	sadd.s32 $0x800, s17;
	[tilespmem:s31+$0x50] =	vst v63  }
0x6b: {  	s22 =	sadd.s32 $0x80, s22;
	p1 =	por !p1, !p1;
	s18 =	sadd.s32 $0x80, s18;
	[tilespmem:s24+$0x0] =	vst v0  }
0x6c: {  	s17 =	sshrl.u32 s15, $0x3  }
0x6d: {  	s18 =	sshll.u32 s13, $0x3;
	s17 =	smul.u32 $0x1800, s17  }
0x6e: {  	s27 =	sshll.u32 s15, $0x7;
	s18 =	sand.u32 $0xFFFFFC00, s18  }
0x6f: {  	s15 =	sand.u32 $0x380, s27;
	s17 =	sadd.s32 s17, s18  }
0x70: {  	s28 =	sand.u32 $0x7F, s13;
	s15 =	sor.u32 s15, s17  }
0x71: {  	s13 =	sor.u32 s28, s15;
	s15 =	smulhi.u32 $0xAAAAAAAB, s15  }
0x72: {  	s29 =	smulhi.u32 $0xAAAAAAAB, s13  }
0x73: {  	s14 =	smul.u32 $0x1800, s14  }
0x74: {  	s12 =	smul.u32 $0x300, s12;
	s15 =	sshrl.u32 s15, $0x9;
	s17 =	sshrl.u32 s29, $0x9  }
0x75: {  	s15 =	sand.u32 $0x7, s15;
	s17 =	smul.u32 $0x300, s17  }
0x76: {  	s15 =	smul.u32 $0x60, s15  }
.Ltmp5:
0x77: {  	s14 =	sadd.s32 s2, s14;
	s13 =	ssub.s32 s13, s17;
	(pc) =	sbr.rel .LBB1_7-.Ltmp5, $4  }
0x78: {  	s12 =	sadd.s32 s12, s14;
	s30 =	sand.u32 $0x7, s13  }
0x79: {  	s12 =	sadd.s32 s15, s12;
	s13 =	sshrl.u32 s13, $0x3;
	s14 =	sshll.u32 s30, $0x12  }
0x7a: {  	s12 =	sadd.s32 s13, s12;
	s31 =	sor.u32 $0x800, s14  }
0x7b: {  	[hbm4b:s12+s31] =	stream.strided.scatter [tilespmem:s16], [sflag:$0x2], $0x4000, s6, s31, $0x38;
	[tilespmem:$0x10000] =	vst v63  }
.LBB1_8:
0x7c: {  	_ =	sfence.sel $0x180000  }
0x7d: {  	s2 =	simm.s32 $0x1;
	[bflag:$0x0] =	sbarrier.arrive $0xFFFF  }
0x7e: {  	s31 =	simm.s32 $0x2;
	[sflag:s2] =	ssyncpa.u1 $0x1  }
0x7f: {  	[sflag:s31] =	ssyncpa.u1 $0x1  }
0x80: {  	p0 =	sne.s32 s1, $0x0;
	_ =	strace $0x90000047  }
0x81: {  	s0 =	sadd.s32 @!p0 $0x100000, s0;
	[bflag:$0x2] =	sbarrier.arrive $0xFFFF  }
0x82: {  	[sflag:s0] =	ssyncadd.tile.s32 @!p0 $0x1;
	_ =	shalt  }
.Lfunc_end1:
_tile_overlayer_lowered:
.L_overlay_start_2:
0x83: {  	(tag) =	ssettag $0x2  }
0x84: {  	s0 =	rddreg [dreg:$0x0];
	s2 =	stileid.u32  }
0x85: {  	s1 =	rddreg [dreg:$0x1];
	p0 =	sne.s32 s2, $0x0  }
0x86: {  	s3 =	rddreg [dreg:$0x2];
	[bflag:$0x3] =	sbarrier.arrive $0xFFFF;
	s2 =	simm.s32 @!p0 $0x1C01  }
0x87: {  	[timem:s3], [sflag:s2] =	dma.local @!p0 [hbm:s0], s1  }
0x88: {  	s0 =	simm.s32 @!p0 $0x1  }
0x89: {  	_ =	swait.ge @!p0 [sflag:s0], s1  }
0x8a: {  	s1 =	ssub.s32 @!p0 $0x0, s1;
	[sflag:s0] =	ssyncset.done @!p0 $0x0  }
0x8b: {  	[sflag:s0] =	ssyncadd.s32 @!p0 s1  }
0x8c: {  	[bflag:$0x3] =	sbarrier.arrive $0xFFFF  }
0x8d: {  	_ =	shalt  }

</sc_bundles>
